<compile_context>
chip_gen: v7x
topology: tpu7x:2x2x1
jax: 0.10.2.dev20260603
libtpu: 0.0.44.dev20260713+nightly
codegen_flags: <defaults>
</compile_context>

<pallas_src>
import functools

import jax
import jax.numpy as jnp
from jax import lax
from jax.experimental import pallas as pl
from jax.experimental.pallas import tpu as pltpu
from jax.experimental.pallas import tpu_sc as plsc

_N = 100000
_E = 6400000
_NODE_F = 37
_ONE_BY_R = 40.0

_NC = 2
_NS = 16
_NW = _NC * _NS
_EPW = _E // _NW
_C = 3200
_NCHUNK = _EPW // _C


def _node_body(x_ref, t_ref, emb_ref, o_ref):
    x = x_ref[...]
    vel = x[:, 3:18] - x[:, 0:15]
    mrp = x[:, 15:18]
    bnd = jnp.clip(
        jnp.concatenate([mrp, 1.0 - mrp], axis=1) * _ONE_BY_R, -1.0, 1.0)
    t = t_ref[...]
    emb = emb_ref[...]
    acc = jnp.zeros(vel.shape[:1] + (16,), jnp.float32)
    for k in range(9):
        acc = acc + (t == k).astype(jnp.float32) * emb[k, :][None, :]
    o_ref[...] = jnp.concatenate([vel, bnd, acc], axis=1)


def _node_tc(pos_flat, types2d, emb):
    b = 2000
    return pl.pallas_call(
        _node_body,
        grid=(_N // b,),
        in_specs=[
            pl.BlockSpec((b, 18), lambda i: (i, 0)),
            pl.BlockSpec((b, 1), lambda i: (i, 0)),
            pl.BlockSpec((9, 16), lambda i: (0, 0)),
        ],
        out_specs=pl.BlockSpec((b, _NODE_F), lambda i: (i, 0)),
        out_shape=jax.ShapeDtypeStruct((_N, _NODE_F), jnp.float32),
    )(pos_flat, types2d, emb)


def _edge_sc(px, py, pz, senders, receivers):
    mesh = plsc.VectorSubcoreMesh(
        core_axis_name="c", subcore_axis_name="s",
        num_cores=_NC, num_subcores=_NS)

    nq = _E // _C
    ntr = _C // 128
    nt = (nq + 2 * _NW - 1) // (2 * _NW)

    @functools.partial(
        pl.kernel,
        mesh=mesh,
        out_type=jax.ShapeDtypeStruct((_E // 128, 4, 128), jnp.float32),
        scratch_types=[
            pltpu.VMEM_SHARED((_N,), jnp.float32),
            pltpu.VMEM_SHARED((_N,), jnp.float32),
            pltpu.VMEM_SHARED((_N,), jnp.float32),
            pltpu.VMEM((_C,), jnp.int32), pltpu.VMEM((_C,), jnp.int32),
            pltpu.VMEM((_C,), jnp.int32), pltpu.VMEM((_C,), jnp.int32),
            pltpu.VMEM((_C,), jnp.float32), pltpu.VMEM((_C,), jnp.float32),
            pltpu.VMEM((_C,), jnp.float32), pltpu.VMEM((_C,), jnp.float32),
            pltpu.VMEM((_C,), jnp.float32), pltpu.VMEM((_C,), jnp.float32),
            pltpu.VMEM((_C,), jnp.float32), pltpu.VMEM((_C,), jnp.float32),
            pltpu.VMEM((_C,), jnp.float32), pltpu.VMEM((_C,), jnp.float32),
            pltpu.VMEM((_C,), jnp.float32), pltpu.VMEM((_C,), jnp.float32),
            pltpu.VMEM((ntr, 4, 128), jnp.float32),
            pltpu.VMEM((ntr, 4, 128), jnp.float32),
            pltpu.SemaphoreType.DMA, pltpu.SemaphoreType.DMA,
            pltpu.SemaphoreType.DMA, pltpu.SemaphoreType.DMA,
        ],
        compiler_params=pltpu.CompilerParams(
            needs_layout_passes=False, use_tc_tiling_on_sc=False),
    )
    def k(px_hbm, py_hbm, pz_hbm, snd_hbm, rcv_hbm, out_hbm,
          pxs, pys, pzs,
          sidxA, ridxA, sidxB, ridxB,
          sxA, syA, szA, rxA, ryA, rzA,
          sxB, syB, szB, rxB, ryB, rzB,
          obufA, obufB,
          gsemA, gsemB, osemA, osemB):
        wid = lax.axis_index("s") * _NC + lax.axis_index("c")

        @pl.when(lax.axis_index("s") == 0)
        def _():
            pltpu.sync_copy(px_hbm, pxs)
            pltpu.sync_copy(py_hbm, pys)
            pltpu.sync_copy(pz_hbm, pzs)

        plsc.subcore_barrier()

        planes = (pxs, pys, pzs)
        bufA = (sidxA, ridxA, (sxA, syA, szA, rxA, ryA, rzA), obufA,
                gsemA, osemA)
        bufB = (sidxB, ridxB, (sxB, syB, szB, rxB, ryB, rzB), obufB,
                gsemB, osemB)

        def idx_load(q, buf):
            base = q * _C
            pltpu.sync_copy(snd_hbm.at[pl.ds(base, _C)], buf[0])
            pltpu.sync_copy(rcv_hbm.at[pl.ds(base, _C)], buf[1])

        def gather_issue(buf):
            sidx, ridx, g, _, gsem, _ = buf
            for c in range(3):
                pltpu.async_copy(planes[c].at[sidx], g[c], gsem)
            for c in range(3):
                pltpu.async_copy(planes[c].at[ridx], g[3 + c], gsem)

        def gather_wait(buf):
            sidx, ridx, g, _, gsem, _ = buf
            for c in range(3):
                pltpu.make_async_copy(planes[c].at[sidx], g[c], gsem).wait()
            for c in range(3):
                pltpu.make_async_copy(planes[c].at[ridx], g[3 + c],
                                      gsem).wait()

        def out_issue(q, buf):
            pltpu.async_copy(buf[3], out_hbm.at[pl.ds(q * ntr, ntr)], buf[5])

        def out_wait(q, buf):
            pltpu.make_async_copy(buf[3], out_hbm.at[pl.ds(q * ntr, ntr)],
                                  buf[5]).wait()

        def compute(buf):
            sxb, syb, szb, rxb, ryb, rzb = buf[2]
            obuf = buf[3]

            @plsc.parallel_loop(0, _C // 16, 1, unroll=4)
            def cbody(i):
                sl = pl.ds(i * 16, 16)
                j = i >> 3
                b = (i & 7) * 16
                dx = (sxb[sl] - rxb[sl]) * _ONE_BY_R
                dy = (syb[sl] - ryb[sl]) * _ONE_BY_R
                dz = (szb[sl] - rzb[sl]) * _ONE_BY_R
                d2 = dx * dx + dy * dy + dz * dz
                xs = jnp.maximum(d2, jnp.float32(1e-30))
                ii = lax.bitcast_convert_type(xs, jnp.int32)
                ii = 0x5F3759DF - lax.shift_right_arithmetic(ii, 1)
                y = lax.bitcast_convert_type(ii, jnp.float32)
                y = y * (1.5 - 0.5 * xs * y * y)
                y = y * (1.5 - 0.5 * xs * y * y)
                y = y * (1.5 - 0.5 * xs * y * y)
                dist = xs * y
                obuf[j, 0, pl.ds(b, 16)] = dx
                obuf[j, 1, pl.ds(b, 16)] = dy
                obuf[j, 2, pl.ds(b, 16)] = dz
                obuf[j, 3, pl.ds(b, 16)] = dist

        idx_load(wid, bufA)
        gather_issue(bufA)

        def pair_body(t, carry):
            qa = wid + 2 * _NW * t
            qb = qa + _NW
            va = qa < nq
            vb = qb < nq

            @pl.when(vb)
            def _():
                idx_load(qb, bufB)

            gather_issue(bufB)
            gather_wait(bufA)

            @pl.when(jnp.logical_and(t > 0, qa - 2 * _NW < nq))
            def _():
                out_wait(qa, bufA)

            compute(bufA)

            @pl.when(va)
            def _():
                out_issue(qa, bufA)

            @pl.when(t + 1 < nt)
            def _():
                @pl.when(qa + 2 * _NW < nq)
                def _():
                    idx_load(qa + 2 * _NW, bufA)

                gather_issue(bufA)

            gather_wait(bufB)

            @pl.when(jnp.logical_and(t > 0, qb - 2 * _NW < nq))
            def _():
                out_wait(qb, bufB)

            compute(bufB)

            @pl.when(vb)
            def _():
                out_issue(qb, bufB)

            return carry

        lax.fori_loop(0, nt, pair_body, 0)

        @pl.when(wid + 2 * _NW * (nt - 1) < nq)
        def _():
            out_wait(wid, bufA)

        @pl.when(wid + 2 * _NW * (nt - 1) + _NW < nq)
        def _():
            out_wait(wid, bufB)

    out3 = k(px, py, pz, senders, receivers)
    return out3.transpose(0, 2, 1).reshape(_E, 4)


def kernel(position_sequence, senders, receivers, particle_types,
           type_embedding):
    n = position_sequence.shape[0]
    pos_flat = position_sequence.reshape(n, 18)
    px = position_sequence[:, -1, 0]
    py = position_sequence[:, -1, 1]
    pz = position_sequence[:, -1, 2]
    node_features = _node_tc(pos_flat, particle_types.reshape(n, 1),
                             type_embedding)
    edge_features = _edge_sc(px, py, pz, senders, receivers)
    return node_features, edge_features

# --- scband reference (transcript-rebuilt; emitter-appended) ---
"""Pipeline reference for scband-learned-simulator-60859686584622 (READ-ONLY COPY).

The authoritative reference and input builder live on the scoring server;
editing this copy changes nothing except your own understanding.
"""

import jax, jax.numpy as jnp
import numpy as np

N = 100000
E = 6400000
DIM = 3
NSTEPS = 6
NTYPES = 9
EMB = 16
CONN_R = 0.025
BOUND_CLAMP = 1.0
VEL_MEAN = 0.0
VEL_STD = 1.0
LOWER = jnp.zeros((1, DIM), dtype=jnp.float32)
UPPER = jnp.ones((1, DIM), dtype=jnp.float32)


def setup_inputs(seed: int = 0) -> dict:
    key = jax.random.key(seed)
    k1, k2, k3, k4, k5 = jax.random.split(key, 5)
    position_sequence = jax.random.uniform(k1, (N, NSTEPS, DIM), dtype=jnp.float32)
    senders = jax.random.randint(k2, (E,), 0, N, dtype=jnp.int32)
    receivers = jax.random.randint(k3, (E,), 0, N, dtype=jnp.int32)
    particle_types = jax.random.randint(k4, (N,), 0, NTYPES, dtype=jnp.int32)
    type_embedding = jax.random.normal(k5, (NTYPES, EMB), dtype=jnp.float32) * 0.02
    return {
        "position_sequence": position_sequence,
        "senders": senders,
        "receivers": receivers,
        "particle_types": particle_types,
        "type_embedding": type_embedding,
    }


def reference(position_sequence, senders, receivers, particle_types, type_embedding):
    # Encoder preprocessor of the GNS LearnedSimulator (gather-heavy, memory-bound)
    most_recent_position = position_sequence[:, -1]                      # [N, DIM]
    velocity_sequence = position_sequence[:, 1:] - position_sequence[:, :-1]  # [N, 5, DIM]
    normalized_velocity_sequence = (velocity_sequence - VEL_MEAN) * (1.0 / VEL_STD)
    flat_velocity = normalized_velocity_sequence.reshape(position_sequence.shape[0], -1)  # [N, 15]

    one_by_r = jnp.float32(1.0 / CONN_R)
    dist_to_lower = (most_recent_position - LOWER) * one_by_r
    dist_to_upper = (UPPER - most_recent_position) * one_by_r
    boundary_feats = jnp.clip(
        jnp.concatenate([dist_to_lower, dist_to_upper], axis=-1),
        -BOUND_CLAMP, BOUND_CLAMP)                                       # [N, 6]

    type_emb = jnp.take(type_embedding, particle_types, axis=0)         # [N, 16]

    node_features = jnp.concatenate([flat_velocity, boundary_feats, type_emb], axis=-1)  # [N, 37]

    # _get_edge_features: gather positions by senders/receivers, relative displacement + norm
    normalized_relative_displacements = (
        jnp.take(most_recent_position, senders, axis=0)
        - jnp.take(most_recent_position, receivers, axis=0)) * one_by_r  # [E, DIM]
    normalized_relative_distances = jnp.linalg.norm(
        normalized_relative_displacements, axis=-1, keepdims=True)      # [E, 1]
    edge_features = jnp.concatenate(
        [normalized_relative_displacements, normalized_relative_distances], axis=-1)  # [E, 4]

    return node_features, edge_features

if __name__ == "__main__":
    import jax
    _d = setup_inputs()
    print(jax.jit(kernel)(*tuple(_d.values())))

</pallas_src>

<mosaic_0001>
#map = affine_map<(d0, d1) -> (0)>
#map1 = affine_map<(d0, d1) -> (0, 0, 0)>
module attributes {stable_mosaic.version = 14 : i64} {
  func.func @k(%arg0: i32, %arg1: i32, %arg2: memref<100000xf32, #tpu.memory_space<hbm>>, %arg3: memref<100000xf32, #tpu.memory_space<hbm>>, %arg4: memref<100000xf32, #tpu.memory_space<hbm>>, %arg5: memref<6400000xi32, #tpu.memory_space<hbm>>, %arg6: memref<6400000xi32, #tpu.memory_space<hbm>>, %arg7: memref<50000x4x128xf32, #tpu.memory_space<hbm>>, %arg8: memref<100000xf32, #tpu.memory_space<vmem_shared>>, %arg9: memref<100000xf32, #tpu.memory_space<vmem_shared>>, %arg10: memref<100000xf32, #tpu.memory_space<vmem_shared>>, %arg11: memref<3200xi32, #tpu.memory_space<vmem>>, %arg12: memref<3200xi32, #tpu.memory_space<vmem>>, %arg13: memref<3200xi32, #tpu.memory_space<vmem>>, %arg14: memref<3200xi32, #tpu.memory_space<vmem>>, %arg15: memref<3200xf32, #tpu.memory_space<vmem>>, %arg16: memref<3200xf32, #tpu.memory_space<vmem>>, %arg17: memref<3200xf32, #tpu.memory_space<vmem>>, %arg18: memref<3200xf32, #tpu.memory_space<vmem>>, %arg19: memref<3200xf32, #tpu.memory_space<vmem>>, %arg20: memref<3200xf32, #tpu.memory_space<vmem>>, %arg21: memref<3200xf32, #tpu.memory_space<vmem>>, %arg22: memref<3200xf32, #tpu.memory_space<vmem>>, %arg23: memref<3200xf32, #tpu.memory_space<vmem>>, %arg24: memref<3200xf32, #tpu.memory_space<vmem>>, %arg25: memref<3200xf32, #tpu.memory_space<vmem>>, %arg26: memref<3200xf32, #tpu.memory_space<vmem>>, %arg27: memref<25x4x128xf32, #tpu.memory_space<vmem>>, %arg28: memref<25x4x128xf32, #tpu.memory_space<vmem>>, %arg29: memref<!tpu.dma_semaphore, #tpu.memory_space<semaphore_mem>>, %arg30: memref<!tpu.dma_semaphore, #tpu.memory_space<semaphore_mem>>, %arg31: memref<!tpu.dma_semaphore, #tpu.memory_space<semaphore_mem>>, %arg32: memref<!tpu.dma_semaphore, #tpu.memory_space<semaphore_mem>>) attributes {dimension_semantics = [#tpu.dimension_semantics<core_parallel>, #tpu.dimension_semantics<subcore_parallel>], iteration_bounds = array<i64: 2, 16>, scalar_prefetch = 0 : i64, scratch_operands = 25 : i64, tpu.core_type = #tpu.core_type<sc_vector_subcore>, window_params = [{transform_indices = #map}, {transform_indices = #map}, {transform_indices = #map}, {transform_indices = #map}, {transform_indices = #map}, {transform_indices = #map1}]} {
    %mul3A = arith.constant 2 : i32
    %mul3A_0 = arith.muli %arg1, %mul3A : i32
    %add3A = arith.addi %mul3A_0, %arg0 : i32
    %eq3A = arith.constant 0 : i32
    %eq3A_1 = arith.cmpi eq, %arg1, %eq3A : i32
    %convert_element_type3A = arith.extui %eq3A_1 : i1 to i32
    %cond3A = arith.constant 0 : i32
    %cond3A_2 = arith.cmpi ne, %convert_element_type3A, %cond3A : i32
    scf.if %cond3A_2 {
      "tpu.region"() ({
        %run_scoped3A = tpu.sem_alloc : memref<!tpu.dma_semaphore, #tpu.memory_space<semaphore_mem>>
        tpu.enqueue_dma source(%arg2 : memref<100000xf32, #tpu.memory_space<hbm>>) target(%arg8 : memref<100000xf32, #tpu.memory_space<vmem_shared>>) target_semaphore(%run_scoped3A : memref<!tpu.dma_semaphore, #tpu.memory_space<semaphore_mem>>)
        tpu.wait_dma2 semaphore(%run_scoped3A : memref<!tpu.dma_semaphore, #tpu.memory_space<semaphore_mem>>) src(%arg2 : memref<100000xf32, #tpu.memory_space<hbm>>) dst(%arg8 : memref<100000xf32, #tpu.memory_space<vmem_shared>>)
        tpu.yield
      }) : () -> ()
      "tpu.region"() ({
        %run_scoped3A = tpu.sem_alloc : memref<!tpu.dma_semaphore, #tpu.memory_space<semaphore_mem>>
        tpu.enqueue_dma source(%arg3 : memref<100000xf32, #tpu.memory_space<hbm>>) target(%arg9 : memref<100000xf32, #tpu.memory_space<vmem_shared>>) target_semaphore(%run_scoped3A : memref<!tpu.dma_semaphore, #tpu.memory_space<semaphore_mem>>)
        tpu.wait_dma2 semaphore(%run_scoped3A : memref<!tpu.dma_semaphore, #tpu.memory_space<semaphore_mem>>) src(%arg3 : memref<100000xf32, #tpu.memory_space<hbm>>) dst(%arg9 : memref<100000xf32, #tpu.memory_space<vmem_shared>>)
        tpu.yield
      }) : () -> ()
      "tpu.region"() ({
        %run_scoped3A = tpu.sem_alloc : memref<!tpu.dma_semaphore, #tpu.memory_space<semaphore_mem>>
        tpu.enqueue_dma source(%arg4 : memref<100000xf32, #tpu.memory_space<hbm>>) target(%arg10 : memref<100000xf32, #tpu.memory_space<vmem_shared>>) target_semaphore(%run_scoped3A : memref<!tpu.dma_semaphore, #tpu.memory_space<semaphore_mem>>)
        tpu.wait_dma2 semaphore(%run_scoped3A : memref<!tpu.dma_semaphore, #tpu.memory_space<semaphore_mem>>) src(%arg4 : memref<100000xf32, #tpu.memory_space<hbm>>) dst(%arg10 : memref<100000xf32, #tpu.memory_space<vmem_shared>>)
        tpu.yield
      }) : () -> ()
    } else {
    }
    %barrier3A = arith.constant 0 : index
    tpu.barrier barrier_id(%barrier3A)
    %mul3A_3 = arith.constant 3200 : i32
    %mul3A_4 = arith.muli %add3A, %mul3A_3 : i32
    "tpu.region"() ({
      %run_scoped3A = tpu.sem_alloc : memref<!tpu.dma_semaphore, #tpu.memory_space<semaphore_mem>>
      %dma_start3A_36 = tpu.memref_slice %arg5[%mul3A_4] : memref<6400000xi32, #tpu.memory_space<hbm>> -> memref<3200xi32, #tpu.memory_space<hbm>>
      %dma_start3A_37 = tpu.memref_slice %arg5[%mul3A_4] : memref<6400000xi32, #tpu.memory_space<hbm>> -> memref<3200xi32, #tpu.memory_space<hbm>>
      tpu.enqueue_dma source(%dma_start3A_37 : memref<3200xi32, #tpu.memory_space<hbm>>) target(%arg11 : memref<3200xi32, #tpu.memory_space<vmem>>) target_semaphore(%run_scoped3A : memref<!tpu.dma_semaphore, #tpu.memory_space<semaphore_mem>>)
      %dma_wait3A = tpu.memref_slice %arg5[%mul3A_4] : memref<6400000xi32, #tpu.memory_space<hbm>> -> memref<3200xi32, #tpu.memory_space<hbm>>
      %dma_wait3A_38 = tpu.memref_slice %arg5[%mul3A_4] : memref<6400000xi32, #tpu.memory_space<hbm>> -> memref<3200xi32, #tpu.memory_space<hbm>>
      tpu.wait_dma2 semaphore(%run_scoped3A : memref<!tpu.dma_semaphore, #tpu.memory_space<semaphore_mem>>) src(%dma_wait3A_38 : memref<3200xi32, #tpu.memory_space<hbm>>) dst(%arg11 : memref<3200xi32, #tpu.memory_space<vmem>>)
      tpu.yield
    }) : () -> ()
    "tpu.region"() ({
      %run_scoped3A = tpu.sem_alloc : memref<!tpu.dma_semaphore, #tpu.memory_space<semaphore_mem>>
      %dma_start3A_36 = tpu.memref_slice %arg6[%mul3A_4] : memref<6400000xi32, #tpu.memory_space<hbm>> -> memref<3200xi32, #tpu.memory_space<hbm>>
      %dma_start3A_37 = tpu.memref_slice %arg6[%mul3A_4] : memref<6400000xi32, #tpu.memory_space<hbm>> -> memref<3200xi32, #tpu.memory_space<hbm>>
      tpu.enqueue_dma source(%dma_start3A_37 : memref<3200xi32, #tpu.memory_space<hbm>>) target(%arg12 : memref<3200xi32, #tpu.memory_space<vmem>>) target_semaphore(%run_scoped3A : memref<!tpu.dma_semaphore, #tpu.memory_space<semaphore_mem>>)
      %dma_wait3A = tpu.memref_slice %arg6[%mul3A_4] : memref<6400000xi32, #tpu.memory_space<hbm>> -> memref<3200xi32, #tpu.memory_space<hbm>>
      %dma_wait3A_38 = tpu.memref_slice %arg6[%mul3A_4] : memref<6400000xi32, #tpu.memory_space<hbm>> -> memref<3200xi32, #tpu.memory_space<hbm>>
      tpu.wait_dma2 semaphore(%run_scoped3A : memref<!tpu.dma_semaphore, #tpu.memory_space<semaphore_mem>>) src(%dma_wait3A_38 : memref<3200xi32, #tpu.memory_space<hbm>>) dst(%arg12 : memref<3200xi32, #tpu.memory_space<vmem>>)
      tpu.yield
    }) : () -> ()
    %dma_start3A = arith.constant 0 : i32
    %dma_start3A_5 = tpu.memref_slice %arg8[%dma_start3A] : memref<100000xf32, #tpu.memory_space<vmem_shared>> -> memref<100000xf32, #tpu.memory_space<vmem_shared>>
    tpu.enqueue_indirect_dma source(%dma_start3A_5 : memref<100000xf32, #tpu.memory_space<vmem_shared>>) target(%arg15 : memref<3200xf32, #tpu.memory_space<vmem>>) offsets(%arg11 : memref<3200xi32, #tpu.memory_space<vmem>>) semaphore(%arg29 : memref<!tpu.dma_semaphore, #tpu.memory_space<semaphore_mem>>)
    %dma_start3A_6 = arith.constant 0 : i32
    %dma_start3A_7 = tpu.memref_slice %arg9[%dma_start3A_6] : memref<100000xf32, #tpu.memory_space<vmem_shared>> -> memref<100000xf32, #tpu.memory_space<vmem_shared>>
    tpu.enqueue_indirect_dma source(%dma_start3A_7 : memref<100000xf32, #tpu.memory_space<vmem_shared>>) target(%arg16 : memref<3200xf32, #tpu.memory_space<vmem>>) offsets(%arg11 : memref<3200xi32, #tpu.memory_space<vmem>>) semaphore(%arg29 : memref<!tpu.dma_semaphore, #tpu.memory_space<semaphore_mem>>)
    %dma_start3A_8 = arith.constant 0 : i32
    %dma_start3A_9 = tpu.memref_slice %arg10[%dma_start3A_8] : memref<100000xf32, #tpu.memory_space<vmem_shared>> -> memref<100000xf32, #tpu.memory_space<vmem_shared>>
    tpu.enqueue_indirect_dma source(%dma_start3A_9 : memref<100000xf32, #tpu.memory_space<vmem_shared>>) target(%arg17 : memref<3200xf32, #tpu.memory_space<vmem>>) offsets(%arg11 : memref<3200xi32, #tpu.memory_space<vmem>>) semaphore(%arg29 : memref<!tpu.dma_semaphore, #tpu.memory_space<semaphore_mem>>)
    %dma_start3A_10 = arith.constant 0 : i32
    %dma_start3A_11 = tpu.memref_slice %arg8[%dma_start3A_10] : memref<100000xf32, #tpu.memory_space<vmem_shared>> -> memref<100000xf32, #tpu.memory_space<vmem_shared>>
    tpu.enqueue_indirect_dma source(%dma_start3A_11 : memref<100000xf32, #tpu.memory_space<vmem_shared>>) target(%arg18 : memref<3200xf32, #tpu.memory_space<vmem>>) offsets(%arg12 : memref<3200xi32, #tpu.memory_space<vmem>>) semaphore(%arg29 : memref<!tpu.dma_semaphore, #tpu.memory_space<semaphore_mem>>)
    %dma_start3A_12 = arith.constant 0 : i32
    %dma_start3A_13 = tpu.memref_slice %arg9[%dma_start3A_12] : memref<100000xf32, #tpu.memory_space<vmem_shared>> -> memref<100000xf32, #tpu.memory_space<vmem_shared>>
    tpu.enqueue_indirect_dma source(%dma_start3A_13 : memref<100000xf32, #tpu.memory_space<vmem_shared>>) target(%arg19 : memref<3200xf32, #tpu.memory_space<vmem>>) offsets(%arg12 : memref<3200xi32, #tpu.memory_space<vmem>>) semaphore(%arg29 : memref<!tpu.dma_semaphore, #tpu.memory_space<semaphore_mem>>)
    %dma_start3A_14 = arith.constant 0 : i32
    %dma_start3A_15 = tpu.memref_slice %arg10[%dma_start3A_14] : memref<100000xf32, #tpu.memory_space<vmem_shared>> -> memref<100000xf32, #tpu.memory_space<vmem_shared>>
    tpu.enqueue_indirect_dma source(%dma_start3A_15 : memref<100000xf32, #tpu.memory_space<vmem_shared>>) target(%arg20 : memref<3200xf32, #tpu.memory_space<vmem>>) offsets(%arg12 : memref<3200xi32, #tpu.memory_space<vmem>>) semaphore(%arg29 : memref<!tpu.dma_semaphore, #tpu.memory_space<semaphore_mem>>)
    %scan3A = arith.constant 0 : i32
    %scan3A_16 = arith.constant 0 : i32
    %scan3A_17 = arith.constant 32 : i32
    %scan3A_18 = arith.addi %scan3A_16, %scan3A_17 : i32
    %scan3A_19 = arith.constant 1 : i32
    scf.for %scan3A_36 = %scan3A_16 to %scan3A_18 step %scan3A_19  : i32 {
      %mul3A_37 = arith.constant 64 : i32
      %mul3A_38 = arith.muli %mul3A_37, %scan3A_36 : i32
      %add3A_39 = arith.addi %add3A, %mul3A_38 : i32
      %add3A_40 = arith.constant 32 : i32
      %add3A_41 = arith.addi %add3A_39, %add3A_40 : i32
      %lt3A_42 = arith.constant 2000 : i32
      %lt3A_43 = arith.cmpi slt, %add3A_39, %lt3A_42 : i32
      %lt3A_44 = arith.constant 2000 : i32
      %lt3A_45 = arith.cmpi slt, %add3A_41, %lt3A_44 : i32
      %convert_element_type3A_46 = arith.extui %lt3A_45 : i1 to i32
      %cond3A_47 = arith.constant 0 : i32
      %cond3A_48 = arith.cmpi ne, %convert_element_type3A_46, %cond3A_47 : i32
      scf.if %cond3A_48 {
        %mul3A_119 = arith.constant 3200 : i32
        %mul3A_120 = arith.muli %add3A_41, %mul3A_119 : i32
        "tpu.region"() ({
          %run_scoped3A = tpu.sem_alloc : memref<!tpu.dma_semaphore, #tpu.memory_space<semaphore_mem>>
          %dma_start3A_121 = tpu.memref_slice %arg5[%mul3A_120] : memref<6400000xi32, #tpu.memory_space<hbm>> -> memref<3200xi32, #tpu.memory_space<hbm>>
          %dma_start3A_122 = tpu.memref_slice %arg5[%mul3A_120] : memref<6400000xi32, #tpu.memory_space<hbm>> -> memref<3200xi32, #tpu.memory_space<hbm>>
          tpu.enqueue_dma source(%dma_start3A_122 : memref<3200xi32, #tpu.memory_space<hbm>>) target(%arg13 : memref<3200xi32, #tpu.memory_space<vmem>>) target_semaphore(%run_scoped3A : memref<!tpu.dma_semaphore, #tpu.memory_space<semaphore_mem>>)
          %dma_wait3A_123 = tpu.memref_slice %arg5[%mul3A_120] : memref<6400000xi32, #tpu.memory_space<hbm>> -> memref<3200xi32, #tpu.memory_space<hbm>>
          %dma_wait3A_124 = tpu.memref_slice %arg5[%mul3A_120] : memref<6400000xi32, #tpu.memory_space<hbm>> -> memref<3200xi32, #tpu.memory_space<hbm>>
          tpu.wait_dma2 semaphore(%run_scoped3A : memref<!tpu.dma_semaphore, #tpu.memory_space<semaphore_mem>>) src(%dma_wait3A_124 : memref<3200xi32, #tpu.memory_space<hbm>>) dst(%arg13 : memref<3200xi32, #tpu.memory_space<vmem>>)
          tpu.yield
        }) : () -> ()
        "tpu.region"() ({
          %run_scoped3A = tpu.sem_alloc : memref<!tpu.dma_semaphore, #tpu.memory_space<semaphore_mem>>
          %dma_start3A_121 = tpu.memref_slice %arg6[%mul3A_120] : memref<6400000xi32, #tpu.memory_space<hbm>> -> memref<3200xi32, #tpu.memory_space<hbm>>
          %dma_start3A_122 = tpu.memref_slice %arg6[%mul3A_120] : memref<6400000xi32, #tpu.memory_space<hbm>> -> memref<3200xi32, #tpu.memory_space<hbm>>
          tpu.enqueue_dma source(%dma_start3A_122 : memref<3200xi32, #tpu.memory_space<hbm>>) target(%arg14 : memref<3200xi32, #tpu.memory_space<vmem>>) target_semaphore(%run_scoped3A : memref<!tpu.dma_semaphore, #tpu.memory_space<semaphore_mem>>)
          %dma_wait3A_123 = tpu.memref_slice %arg6[%mul3A_120] : memref<6400000xi32, #tpu.memory_space<hbm>> -> memref<3200xi32, #tpu.memory_space<hbm>>
          %dma_wait3A_124 = tpu.memref_slice %arg6[%mul3A_120] : memref<6400000xi32, #tpu.memory_space<hbm>> -> memref<3200xi32, #tpu.memory_space<hbm>>
          tpu.wait_dma2 semaphore(%run_scoped3A : memref<!tpu.dma_semaphore, #tpu.memory_space<semaphore_mem>>) src(%dma_wait3A_124 : memref<3200xi32, #tpu.memory_space<hbm>>) dst(%arg14 : memref<3200xi32, #tpu.memory_space<vmem>>)
          tpu.yield
        }) : () -> ()
      } else {
      }
      %dma_start3A_49 = arith.constant 0 : i32
      %dma_start3A_50 = tpu.memref_slice %arg8[%dma_start3A_49] : memref<100000xf32, #tpu.memory_space<vmem_shared>> -> memref<100000xf32, #tpu.memory_space<vmem_shared>>
      tpu.enqueue_indirect_dma source(%dma_start3A_50 : memref<100000xf32, #tpu.memory_space<vmem_shared>>) target(%arg21 : memref<3200xf32, #tpu.memory_space<vmem>>) offsets(%arg13 : memref<3200xi32, #tpu.memory_space<vmem>>) semaphore(%arg30 : memref<!tpu.dma_semaphore, #tpu.memory_space<semaphore_mem>>)
      %dma_start3A_51 = arith.constant 0 : i32
      %dma_start3A_52 = tpu.memref_slice %arg9[%dma_start3A_51] : memref<100000xf32, #tpu.memory_space<vmem_shared>> -> memref<100000xf32, #tpu.memory_space<vmem_shared>>
      tpu.enqueue_indirect_dma source(%dma_start3A_52 : memref<100000xf32, #tpu.memory_space<vmem_shared>>) target(%arg22 : memref<3200xf32, #tpu.memory_space<vmem>>) offsets(%arg13 : memref<3200xi32, #tpu.memory_space<vmem>>) semaphore(%arg30 : memref<!tpu.dma_semaphore, #tpu.memory_space<semaphore_mem>>)
      %dma_start3A_53 = arith.constant 0 : i32
      %dma_start3A_54 = tpu.memref_slice %arg10[%dma_start3A_53] : memref<100000xf32, #tpu.memory_space<vmem_shared>> -> memref<100000xf32, #tpu.memory_space<vmem_shared>>
      tpu.enqueue_indirect_dma source(%dma_start3A_54 : memref<100000xf32, #tpu.memory_space<vmem_shared>>) target(%arg23 : memref<3200xf32, #tpu.memory_space<vmem>>) offsets(%arg13 : memref<3200xi32, #tpu.memory_space<vmem>>) semaphore(%arg30 : memref<!tpu.dma_semaphore, #tpu.memory_space<semaphore_mem>>)
      %dma_start3A_55 = arith.constant 0 : i32
      %dma_start3A_56 = tpu.memref_slice %arg8[%dma_start3A_55] : memref<100000xf32, #tpu.memory_space<vmem_shared>> -> memref<100000xf32, #tpu.memory_space<vmem_shared>>
      tpu.enqueue_indirect_dma source(%dma_start3A_56 : memref<100000xf32, #tpu.memory_space<vmem_shared>>) target(%arg24 : memref<3200xf32, #tpu.memory_space<vmem>>) offsets(%arg14 : memref<3200xi32, #tpu.memory_space<vmem>>) semaphore(%arg30 : memref<!tpu.dma_semaphore, #tpu.memory_space<semaphore_mem>>)
      %dma_start3A_57 = arith.constant 0 : i32
      %dma_start3A_58 = tpu.memref_slice %arg9[%dma_start3A_57] : memref<100000xf32, #tpu.memory_space<vmem_shared>> -> memref<100000xf32, #tpu.memory_space<vmem_shared>>
      tpu.enqueue_indirect_dma source(%dma_start3A_58 : memref<100000xf32, #tpu.memory_space<vmem_shared>>) target(%arg25 : memref<3200xf32, #tpu.memory_space<vmem>>) offsets(%arg14 : memref<3200xi32, #tpu.memory_space<vmem>>) semaphore(%arg30 : memref<!tpu.dma_semaphore, #tpu.memory_space<semaphore_mem>>)
      %dma_start3A_59 = arith.constant 0 : i32
      %dma_start3A_60 = tpu.memref_slice %arg10[%dma_start3A_59] : memref<100000xf32, #tpu.memory_space<vmem_shared>> -> memref<100000xf32, #tpu.memory_space<vmem_shared>>
      tpu.enqueue_indirect_dma source(%dma_start3A_60 : memref<100000xf32, #tpu.memory_space<vmem_shared>>) target(%arg26 : memref<3200xf32, #tpu.memory_space<vmem>>) offsets(%arg14 : memref<3200xi32, #tpu.memory_space<vmem>>) semaphore(%arg30 : memref<!tpu.dma_semaphore, #tpu.memory_space<semaphore_mem>>)
      %dma_wait3A = arith.constant 0 : i32
      %dma_wait3A_61 = tpu.memref_slice %arg8[%dma_wait3A] : memref<100000xf32, #tpu.memory_space<vmem_shared>> -> memref<100000xf32, #tpu.memory_space<vmem_shared>>
      tpu.wait_indirect_dma semaphore(%arg29 : memref<!tpu.dma_semaphore, #tpu.memory_space<semaphore_mem>>) src(%dma_wait3A_61 : memref<100000xf32, #tpu.memory_space<vmem_shared>>) dst(%arg15 : memref<3200xf32, #tpu.memory_space<vmem>>)
      %dma_wait3A_62 = arith.constant 0 : i32
      %dma_wait3A_63 = tpu.memref_slice %arg9[%dma_wait3A_62] : memref<100000xf32, #tpu.memory_space<vmem_shared>> -> memref<100000xf32, #tpu.memory_space<vmem_shared>>
      tpu.wait_indirect_dma semaphore(%arg29 : memref<!tpu.dma_semaphore, #tpu.memory_space<semaphore_mem>>) src(%dma_wait3A_63 : memref<100000xf32, #tpu.memory_space<vmem_shared>>) dst(%arg16 : memref<3200xf32, #tpu.memory_space<vmem>>)
      %dma_wait3A_64 = arith.constant 0 : i32
      %dma_wait3A_65 = tpu.memref_slice %arg10[%dma_wait3A_64] : memref<100000xf32, #tpu.memory_space<vmem_shared>> -> memref<100000xf32, #tpu.memory_space<vmem_shared>>
      tpu.wait_indirect_dma semaphore(%arg29 : memref<!tpu.dma_semaphore, #tpu.memory_space<semaphore_mem>>) src(%dma_wait3A_65 : memref<100000xf32, #tpu.memory_space<vmem_shared>>) dst(%arg17 : memref<3200xf32, #tpu.memory_space<vmem>>)
      %dma_wait3A_66 = arith.constant 0 : i32
      %dma_wait3A_67 = tpu.memref_slice %arg8[%dma_wait3A_66] : memref<100000xf32, #tpu.memory_space<vmem_shared>> -> memref<100000xf32, #tpu.memory_space<vmem_shared>>
      tpu.wait_indirect_dma semaphore(%arg29 : memref<!tpu.dma_semaphore, #tpu.memory_space<semaphore_mem>>) src(%dma_wait3A_67 : memref<100000xf32, #tpu.memory_space<vmem_shared>>) dst(%arg18 : memref<3200xf32, #tpu.memory_space<vmem>>)
      %dma_wait3A_68 = arith.constant 0 : i32
      %dma_wait3A_69 = tpu.memref_slice %arg9[%dma_wait3A_68] : memref<100000xf32, #tpu.memory_space<vmem_shared>> -> memref<100000xf32, #tpu.memory_space<vmem_shared>>
      tpu.wait_indirect_dma semaphore(%arg29 : memref<!tpu.dma_semaphore, #tpu.memory_space<semaphore_mem>>) src(%dma_wait3A_69 : memref<100000xf32, #tpu.memory_space<vmem_shared>>) dst(%arg19 : memref<3200xf32, #tpu.memory_space<vmem>>)
      %dma_wait3A_70 = arith.constant 0 : i32
      %dma_wait3A_71 = tpu.memref_slice %arg10[%dma_wait3A_70] : memref<100000xf32, #tpu.memory_space<vmem_shared>> -> memref<100000xf32, #tpu.memory_space<vmem_shared>>
      tpu.wait_indirect_dma semaphore(%arg29 : memref<!tpu.dma_semaphore, #tpu.memory_space<semaphore_mem>>) src(%dma_wait3A_71 : memref<100000xf32, #tpu.memory_space<vmem_shared>>) dst(%arg20 : memref<3200xf32, #tpu.memory_space<vmem>>)
      %gt3A = arith.constant 0 : i32
      %gt3A_72 = arith.cmpi sgt, %scan3A_36, %gt3A : i32
      %sub3A = arith.constant 64 : i32
      %sub3A_73 = arith.subi %add3A_39, %sub3A : i32
      %lt3A_74 = arith.constant 2000 : i32
      %lt3A_75 = arith.cmpi slt, %sub3A_73, %lt3A_74 : i32
      %and3A = arith.andi %gt3A_72, %lt3A_75 : i1
      %convert_element_type3A_76 = arith.extui %and3A : i1 to i32
      %cond3A_77 = arith.constant 0 : i32
      %cond3A_78 = arith.cmpi ne, %convert_element_type3A_76, %cond3A_77 : i32
      scf.if %cond3A_78 {
        %mul3A_119 = arith.constant 25 : i32
        %mul3A_120 = arith.muli %add3A_39, %mul3A_119 : i32
        %dma_wait3A_121 = arith.constant 0 : i32
        %dma_wait3A_122 = arith.constant 0 : i32
        %dma_wait3A_123 = tpu.memref_slice %arg7[%mul3A_120, %dma_wait3A_121, %dma_wait3A_122] : memref<50000x4x128xf32, #tpu.memory_space<hbm>> -> memref<25x4x128xf32, #tpu.memory_space<hbm>>
        %dma_wait3A_124 = arith.constant 0 : i32
        %dma_wait3A_125 = arith.constant 0 : i32
        %dma_wait3A_126 = tpu.memref_slice %arg7[%mul3A_120, %dma_wait3A_124, %dma_wait3A_125] : memref<50000x4x128xf32, #tpu.memory_space<hbm>> -> memref<25x4x128xf32, #tpu.memory_space<hbm>>
        tpu.wait_dma2 semaphore(%arg31 : memref<!tpu.dma_semaphore, #tpu.memory_space<semaphore_mem>>) src(%arg27 : memref<25x4x128xf32, #tpu.memory_space<vmem>>) dst(%dma_wait3A_126 : memref<25x4x128xf32, #tpu.memory_space<hbm>>)
      } else {
      }
      %parallel_loop3A = arith.constant 0 : i32
      %parallel_loop3A_79 = arith.constant 200 : i32
      %parallel_loop3A_80 = arith.constant 1 : i32
      scf.for %parallel_loop3A_119 = %parallel_loop3A to %parallel_loop3A_79 step %parallel_loop3A_80  : i32 {
        %parallel_loop3A_120 = arith.constant 16 : i32
        %parallel_loop3A_121 = arith.muli %parallel_loop3A_119, %parallel_loop3A_120 : i32
        %parallel_loop3A_122 = arith.constant 3 : i32
        %parallel_loop3A_123 = arith.shrsi %parallel_loop3A_119, %parallel_loop3A_122 : i32
        %parallel_loop3A_124 = arith.constant 7 : i32
        %parallel_loop3A_125 = arith.andi %parallel_loop3A_119, %parallel_loop3A_124 : i32
        %parallel_loop3A_126 = arith.constant 16 : i32
        %parallel_loop3A_127 = arith.muli %parallel_loop3A_125, %parallel_loop3A_126 : i32
        %parallel_loop3A_128 = arith.index_cast %parallel_loop3A_121 : i32 to index
        %parallel_loop3A_129 = tpu.vector_load %arg15[%parallel_loop3A_128] {strides = array<i32>} : memref<3200xf32, #tpu.memory_space<vmem>>, vector<16xf32>,
        %parallel_loop3A_130 = arith.index_cast %parallel_loop3A_121 : i32 to index
        %parallel_loop3A_131 = tpu.vector_load %arg18[%parallel_loop3A_130] {strides = array<i32>} : memref<3200xf32, #tpu.memory_space<vmem>>, vector<16xf32>,
        %parallel_loop3A_132 = arith.subf %parallel_loop3A_129, %parallel_loop3A_131 : vector<16xf32>
        %parallel_loop3A_133 = arith.constant 4.000000e+01 : f32
        %parallel_loop3A_134 = vector.broadcast %parallel_loop3A_133 : f32 to vector<16xf32>
        %parallel_loop3A_135 = arith.mulf %parallel_loop3A_132, %parallel_loop3A_134 : vector<16xf32>
        %parallel_loop3A_136 = arith.index_cast %parallel_loop3A_121 : i32 to index
        %parallel_loop3A_137 = tpu.vector_load %arg16[%parallel_loop3A_136] {strides = array<i32>} : memref<3200xf32, #tpu.memory_space<vmem>>, vector<16xf32>,
        %parallel_loop3A_138 = arith.index_cast %parallel_loop3A_121 : i32 to index
        %parallel_loop3A_139 = tpu.vector_load %arg19[%parallel_loop3A_138] {strides = array<i32>} : memref<3200xf32, #tpu.memory_space<vmem>>, vector<16xf32>,
        %parallel_loop3A_140 = arith.subf %parallel_loop3A_137, %parallel_loop3A_139 : vector<16xf32>
        %parallel_loop3A_141 = arith.constant 4.000000e+01 : f32
        %parallel_loop3A_142 = vector.broadcast %parallel_loop3A_141 : f32 to vector<16xf32>
        %parallel_loop3A_143 = arith.mulf %parallel_loop3A_140, %parallel_loop3A_142 : vector<16xf32>
        %parallel_loop3A_144 = arith.index_cast %parallel_loop3A_121 : i32 to index
        %parallel_loop3A_145 = tpu.vector_load %arg17[%parallel_loop3A_144] {strides = array<i32>} : memref<3200xf32, #tpu.memory_space<vmem>>, vector<16xf32>,
        %parallel_loop3A_146 = arith.index_cast %parallel_loop3A_121 : i32 to index
        %parallel_loop3A_147 = tpu.vector_load %arg20[%parallel_loop3A_146] {strides = array<i32>} : memref<3200xf32, #tpu.memory_space<vmem>>, vector<16xf32>,
        %parallel_loop3A_148 = arith.subf %parallel_loop3A_145, %parallel_loop3A_147 : vector<16xf32>
        %parallel_loop3A_149 = arith.constant 4.000000e+01 : f32
        %parallel_loop3A_150 = vector.broadcast %parallel_loop3A_149 : f32 to vector<16xf32>
        %parallel_loop3A_151 = arith.mulf %parallel_loop3A_148, %parallel_loop3A_150 : vector<16xf32>
        %parallel_loop3A_152 = arith.mulf %parallel_loop3A_135, %parallel_loop3A_135 : vector<16xf32>
        %parallel_loop3A_153 = arith.mulf %parallel_loop3A_143, %parallel_loop3A_143 : vector<16xf32>
        %parallel_loop3A_154 = arith.addf %parallel_loop3A_152, %parallel_loop3A_153 : vector<16xf32>
        %parallel_loop3A_155 = arith.mulf %parallel_loop3A_151, %parallel_loop3A_151 : vector<16xf32>
        %parallel_loop3A_156 = arith.addf %parallel_loop3A_154, %parallel_loop3A_155 : vector<16xf32>
        %parallel_loop3A_157 = arith.constant 1.000000e-30 : f32
        %parallel_loop3A_158 = vector.broadcast %parallel_loop3A_157 : f32 to vector<16xf32>
        %parallel_loop3A_159 = arith.maximumf %parallel_loop3A_156, %parallel_loop3A_158 : vector<16xf32>
        %parallel_loop3A_160 = tpu.bitcast %parallel_loop3A_159 : vector<16xf32> -> vector<16xi32>
        %parallel_loop3A_161 = arith.constant 1 : i32
        %parallel_loop3A_162 = vector.broadcast %parallel_loop3A_161 : i32 to vector<16xi32>
        %parallel_loop3A_163 = arith.shrsi %parallel_loop3A_160, %parallel_loop3A_162 : vector<16xi32>
        %parallel_loop3A_164 = arith.constant 1597463007 : i32
        %parallel_loop3A_165 = vector.broadcast %parallel_loop3A_164 : i32 to vector<16xi32>
        %parallel_loop3A_166 = arith.subi %parallel_loop3A_165, %parallel_loop3A_163 : vector<16xi32>
        %parallel_loop3A_167 = tpu.bitcast %parallel_loop3A_166 : vector<16xi32> -> vector<16xf32>
        %parallel_loop3A_168 = arith.constant 5.000000e-01 : f32
        %parallel_loop3A_169 = vector.broadcast %parallel_loop3A_168 : f32 to vector<16xf32>
        %parallel_loop3A_170 = arith.mulf %parallel_loop3A_169, %parallel_loop3A_159 : vector<16xf32>
        %parallel_loop3A_171 = arith.mulf %parallel_loop3A_170, %parallel_loop3A_167 : vector<16xf32>
        %parallel_loop3A_172 = arith.mulf %parallel_loop3A_171, %parallel_loop3A_167 : vector<16xf32>
        %parallel_loop3A_173 = arith.constant 1.500000e+00 : f32
        %parallel_loop3A_174 = vector.broadcast %parallel_loop3A_173 : f32 to vector<16xf32>
        %parallel_loop3A_175 = arith.subf %parallel_loop3A_174, %parallel_loop3A_172 : vector<16xf32>
        %parallel_loop3A_176 = arith.mulf %parallel_loop3A_167, %parallel_loop3A_175 : vector<16xf32>
        %parallel_loop3A_177 = arith.constant 5.000000e-01 : f32
        %parallel_loop3A_178 = vector.broadcast %parallel_loop3A_177 : f32 to vector<16xf32>
        %parallel_loop3A_179 = arith.mulf %parallel_loop3A_178, %parallel_loop3A_159 : vector<16xf32>
        %parallel_loop3A_180 = arith.mulf %parallel_loop3A_179, %parallel_loop3A_176 : vector<16xf32>
        %parallel_loop3A_181 = arith.mulf %parallel_loop3A_180, %parallel_loop3A_176 : vector<16xf32>
        %parallel_loop3A_182 = arith.constant 1.500000e+00 : f32
        %parallel_loop3A_183 = vector.broadcast %parallel_loop3A_182 : f32 to vector<16xf32>
        %parallel_loop3A_184 = arith.subf %parallel_loop3A_183, %parallel_loop3A_181 : vector<16xf32>
        %parallel_loop3A_185 = arith.mulf %parallel_loop3A_176, %parallel_loop3A_184 : vector<16xf32>
        %parallel_loop3A_186 = arith.constant 5.000000e-01 : f32
        %parallel_loop3A_187 = vector.broadcast %parallel_loop3A_186 : f32 to vector<16xf32>
        %parallel_loop3A_188 = arith.mulf %parallel_loop3A_187, %parallel_loop3A_159 : vector<16xf32>
        %parallel_loop3A_189 = arith.mulf %parallel_loop3A_188, %parallel_loop3A_185 : vector<16xf32>
        %parallel_loop3A_190 = arith.mulf %parallel_loop3A_189, %parallel_loop3A_185 : vector<16xf32>
        %parallel_loop3A_191 = arith.constant 1.500000e+00 : f32
        %parallel_loop3A_192 = vector.broadcast %parallel_loop3A_191 : f32 to vector<16xf32>
        %parallel_loop3A_193 = arith.subf %parallel_loop3A_192, %parallel_loop3A_190 : vector<16xf32>
        %parallel_loop3A_194 = arith.mulf %parallel_loop3A_185, %parallel_loop3A_193 : vector<16xf32>
        %parallel_loop3A_195 = arith.mulf %parallel_loop3A_159, %parallel_loop3A_194 : vector<16xf32>
        %parallel_loop3A_196 = arith.constant 0 : i32
        %parallel_loop3A_197 = arith.index_cast %parallel_loop3A_123 : i32 to index
        %parallel_loop3A_198 = arith.index_cast %parallel_loop3A_196 : i32 to index
        %parallel_loop3A_199 = arith.index_cast %parallel_loop3A_127 : i32 to index
        %parallel_loop3A_200 = tpu.vector_load %arg27[%parallel_loop3A_197, %parallel_loop3A_198, %parallel_loop3A_199] {strides = array<i32>} : memref<25x4x128xf32, #tpu.memory_space<vmem>>, vector<16xf32>,
        tpu.vector_store %arg27[%parallel_loop3A_197, %parallel_loop3A_198, %parallel_loop3A_199], %parallel_loop3A_135 {strides = array<i32>} : memref<25x4x128xf32, #tpu.memory_space<vmem>>, vector<16xf32>,
        %parallel_loop3A_201 = arith.constant 1 : i32
        %parallel_loop3A_202 = arith.index_cast %parallel_loop3A_123 : i32 to index
        %parallel_loop3A_203 = arith.index_cast %parallel_loop3A_201 : i32 to index
        %parallel_loop3A_204 = arith.index_cast %parallel_loop3A_127 : i32 to index
        %parallel_loop3A_205 = tpu.vector_load %arg27[%parallel_loop3A_202, %parallel_loop3A_203, %parallel_loop3A_204] {strides = array<i32>} : memref<25x4x128xf32, #tpu.memory_space<vmem>>, vector<16xf32>,
        tpu.vector_store %arg27[%parallel_loop3A_202, %parallel_loop3A_203, %parallel_loop3A_204], %parallel_loop3A_143 {strides = array<i32>} : memref<25x4x128xf32, #tpu.memory_space<vmem>>, vector<16xf32>,
        %parallel_loop3A_206 = arith.constant 2 : i32
        %parallel_loop3A_207 = arith.index_cast %parallel_loop3A_123 : i32 to index
        %parallel_loop3A_208 = arith.index_cast %parallel_loop3A_206 : i32 to index
        %parallel_loop3A_209 = arith.index_cast %parallel_loop3A_127 : i32 to index
        %parallel_loop3A_210 = tpu.vector_load %arg27[%parallel_loop3A_207, %parallel_loop3A_208, %parallel_loop3A_209] {strides = array<i32>} : memref<25x4x128xf32, #tpu.memory_space<vmem>>, vector<16xf32>,
        tpu.vector_store %arg27[%parallel_loop3A_207, %parallel_loop3A_208, %parallel_loop3A_209], %parallel_loop3A_151 {strides = array<i32>} : memref<25x4x128xf32, #tpu.memory_space<vmem>>, vector<16xf32>,
        %parallel_loop3A_211 = arith.constant 3 : i32
        %parallel_loop3A_212 = arith.index_cast %parallel_loop3A_123 : i32 to index
        %parallel_loop3A_213 = arith.index_cast %parallel_loop3A_211 : i32 to index
        %parallel_loop3A_214 = arith.index_cast %parallel_loop3A_127 : i32 to index
        %parallel_loop3A_215 = tpu.vector_load %arg27[%parallel_loop3A_212, %parallel_loop3A_213, %parallel_loop3A_214] {strides = array<i32>} : memref<25x4x128xf32, #tpu.memory_space<vmem>>, vector<16xf32>,
        tpu.vector_store %arg27[%parallel_loop3A_212, %parallel_loop3A_213, %parallel_loop3A_214], %parallel_loop3A_195 {strides = array<i32>} : memref<25x4x128xf32, #tpu.memory_space<vmem>>, vector<16xf32>,
      } {sc.loop_unroll_factor = 4 : i64, sc.parallel_access}
      %convert_element_type3A_81 = arith.extui %lt3A_43 : i1 to i32
      %cond3A_82 = arith.constant 0 : i32
      %cond3A_83 = arith.cmpi ne, %convert_element_type3A_81, %cond3A_82 : i32
      scf.if %cond3A_83 {
        %mul3A_119 = arith.constant 25 : i32
        %mul3A_120 = arith.muli %add3A_39, %mul3A_119 : i32
        %dma_start3A_121 = arith.constant 0 : i32
        %dma_start3A_122 = arith.constant 0 : i32
        %dma_start3A_123 = tpu.memref_slice %arg7[%mul3A_120, %dma_start3A_121, %dma_start3A_122] : memref<50000x4x128xf32, #tpu.memory_space<hbm>> -> memref<25x4x128xf32, #tpu.memory_space<hbm>>
        %dma_start3A_124 = arith.constant 0 : i32
        %dma_start3A_125 = arith.constant 0 : i32
        %dma_start3A_126 = tpu.memref_slice %arg7[%mul3A_120, %dma_start3A_124, %dma_start3A_125] : memref<50000x4x128xf32, #tpu.memory_space<hbm>> -> memref<25x4x128xf32, #tpu.memory_space<hbm>>
        tpu.enqueue_dma source(%arg27 : memref<25x4x128xf32, #tpu.memory_space<vmem>>) target(%dma_start3A_126 : memref<25x4x128xf32, #tpu.memory_space<hbm>>) target_semaphore(%arg31 : memref<!tpu.dma_semaphore, #tpu.memory_space<semaphore_mem>>)
      } else {
      }
      %add3A_84 = arith.constant 1 : i32
      %add3A_85 = arith.addi %scan3A_36, %add3A_84 : i32
      %lt3A_86 = arith.constant 32 : i32
      %lt3A_87 = arith.cmpi slt, %add3A_85, %lt3A_86 : i32
      %convert_element_type3A_88 = arith.extui %lt3A_87 : i1 to i32
      %cond3A_89 = arith.constant 0 : i32
      %cond3A_90 = arith.cmpi ne, %convert_element_type3A_88, %cond3A_89 : i32
      scf.if %cond3A_90 {
        %add3A_119 = arith.constant 64 : i32
        %add3A_120 = arith.addi %add3A_39, %add3A_119 : i32
        %lt3A_121 = arith.constant 2000 : i32
        %lt3A_122 = arith.cmpi slt, %add3A_120, %lt3A_121 : i32
        %convert_element_type3A_123 = arith.extui %lt3A_122 : i1 to i32
        %cond3A_124 = arith.constant 0 : i32
        %cond3A_125 = arith.cmpi ne, %convert_element_type3A_123, %cond3A_124 : i32
        scf.if %cond3A_125 {
          %add3A_138 = arith.constant 64 : i32
          %add3A_139 = arith.addi %add3A_39, %add3A_138 : i32
          %mul3A_140 = arith.constant 3200 : i32
          %mul3A_141 = arith.muli %add3A_139, %mul3A_140 : i32
          "tpu.region"() ({
            %run_scoped3A = tpu.sem_alloc : memref<!tpu.dma_semaphore, #tpu.memory_space<semaphore_mem>>
            %dma_start3A_142 = tpu.memref_slice %arg5[%mul3A_141] : memref<6400000xi32, #tpu.memory_space<hbm>> -> memref<3200xi32, #tpu.memory_space<hbm>>
            %dma_start3A_143 = tpu.memref_slice %arg5[%mul3A_141] : memref<6400000xi32, #tpu.memory_space<hbm>> -> memref<3200xi32, #tpu.memory_space<hbm>>
            tpu.enqueue_dma source(%dma_start3A_143 : memref<3200xi32, #tpu.memory_space<hbm>>) target(%arg11 : memref<3200xi32, #tpu.memory_space<vmem>>) target_semaphore(%run_scoped3A : memref<!tpu.dma_semaphore, #tpu.memory_space<semaphore_mem>>)
            %dma_wait3A_144 = tpu.memref_slice %arg5[%mul3A_141] : memref<6400000xi32, #tpu.memory_space<hbm>> -> memref<3200xi32, #tpu.memory_space<hbm>>
            %dma_wait3A_145 = tpu.memref_slice %arg5[%mul3A_141] : memref<6400000xi32, #tpu.memory_space<hbm>> -> memref<3200xi32, #tpu.memory_space<hbm>>
            tpu.wait_dma2 semaphore(%run_scoped3A : memref<!tpu.dma_semaphore, #tpu.memory_space<semaphore_mem>>) src(%dma_wait3A_145 : memref<3200xi32, #tpu.memory_space<hbm>>) dst(%arg11 : memref<3200xi32, #tpu.memory_space<vmem>>)
            tpu.yield
          }) : () -> ()
          "tpu.region"() ({
            %run_scoped3A = tpu.sem_alloc : memref<!tpu.dma_semaphore, #tpu.memory_space<semaphore_mem>>
            %dma_start3A_142 = tpu.memref_slice %arg6[%mul3A_141] : memref<6400000xi32, #tpu.memory_space<hbm>> -> memref<3200xi32, #tpu.memory_space<hbm>>
            %dma_start3A_143 = tpu.memref_slice %arg6[%mul3A_141] : memref<6400000xi32, #tpu.memory_space<hbm>> -> memref<3200xi32, #tpu.memory_space<hbm>>
            tpu.enqueue_dma source(%dma_start3A_143 : memref<3200xi32, #tpu.memory_space<hbm>>) target(%arg12 : memref<3200xi32, #tpu.memory_space<vmem>>) target_semaphore(%run_scoped3A : memref<!tpu.dma_semaphore, #tpu.memory_space<semaphore_mem>>)
            %dma_wait3A_144 = tpu.memref_slice %arg6[%mul3A_141] : memref<6400000xi32, #tpu.memory_space<hbm>> -> memref<3200xi32, #tpu.memory_space<hbm>>
            %dma_wait3A_145 = tpu.memref_slice %arg6[%mul3A_141] : memref<6400000xi32, #tpu.memory_space<hbm>> -> memref<3200xi32, #tpu.memory_space<hbm>>
            tpu.wait_dma2 semaphore(%run_scoped3A : memref<!tpu.dma_semaphore, #tpu.memory_space<semaphore_mem>>) src(%dma_wait3A_145 : memref<3200xi32, #tpu.memory_space<hbm>>) dst(%arg12 : memref<3200xi32, #tpu.memory_space<vmem>>)
            tpu.yield
          }) : () -> ()
        } else {
        }
        %dma_start3A_126 = arith.constant 0 : i32
        %dma_start3A_127 = tpu.memref_slice %arg8[%dma_start3A_126] : memref<100000xf32, #tpu.memory_space<vmem_shared>> -> memref<100000xf32, #tpu.memory_space<vmem_shared>>
        tpu.enqueue_indirect_dma source(%dma_start3A_127 : memref<100000xf32, #tpu.memory_space<vmem_shared>>) target(%arg15 : memref<3200xf32, #tpu.memory_space<vmem>>) offsets(%arg11 : memref<3200xi32, #tpu.memory_space<vmem>>) semaphore(%arg29 : memref<!tpu.dma_semaphore, #tpu.memory_space<semaphore_mem>>)
        %dma_start3A_128 = arith.constant 0 : i32
        %dma_start3A_129 = tpu.memref_slice %arg9[%dma_start3A_128] : memref<100000xf32, #tpu.memory_space<vmem_shared>> -> memref<100000xf32, #tpu.memory_space<vmem_shared>>
        tpu.enqueue_indirect_dma source(%dma_start3A_129 : memref<100000xf32, #tpu.memory_space<vmem_shared>>) target(%arg16 : memref<3200xf32, #tpu.memory_space<vmem>>) offsets(%arg11 : memref<3200xi32, #tpu.memory_space<vmem>>) semaphore(%arg29 : memref<!tpu.dma_semaphore, #tpu.memory_space<semaphore_mem>>)
        %dma_start3A_130 = arith.constant 0 : i32
        %dma_start3A_131 = tpu.memref_slice %arg10[%dma_start3A_130] : memref<100000xf32, #tpu.memory_space<vmem_shared>> -> memref<100000xf32, #tpu.memory_space<vmem_shared>>
        tpu.enqueue_indirect_dma source(%dma_start3A_131 : memref<100000xf32, #tpu.memory_space<vmem_shared>>) target(%arg17 : memref<3200xf32, #tpu.memory_space<vmem>>) offsets(%arg11 : memref<3200xi32, #tpu.memory_space<vmem>>) semaphore(%arg29 : memref<!tpu.dma_semaphore, #tpu.memory_space<semaphore_mem>>)
        %dma_start3A_132 = arith.constant 0 : i32
        %dma_start3A_133 = tpu.memref_slice %arg8[%dma_start3A_132] : memref<100000xf32, #tpu.memory_space<vmem_shared>> -> memref<100000xf32, #tpu.memory_space<vmem_shared>>
        tpu.enqueue_indirect_dma source(%dma_start3A_133 : memref<100000xf32, #tpu.memory_space<vmem_shared>>) target(%arg18 : memref<3200xf32, #tpu.memory_space<vmem>>) offsets(%arg12 : memref<3200xi32, #tpu.memory_space<vmem>>) semaphore(%arg29 : memref<!tpu.dma_semaphore, #tpu.memory_space<semaphore_mem>>)
        %dma_start3A_134 = arith.constant 0 : i32
        %dma_start3A_135 = tpu.memref_slice %arg9[%dma_start3A_134] : memref<100000xf32, #tpu.memory_space<vmem_shared>> -> memref<100000xf32, #tpu.memory_space<vmem_shared>>
        tpu.enqueue_indirect_dma source(%dma_start3A_135 : memref<100000xf32, #tpu.memory_space<vmem_shared>>) target(%arg19 : memref<3200xf32, #tpu.memory_space<vmem>>) offsets(%arg12 : memref<3200xi32, #tpu.memory_space<vmem>>) semaphore(%arg29 : memref<!tpu.dma_semaphore, #tpu.memory_space<semaphore_mem>>)
        %dma_start3A_136 = arith.constant 0 : i32
        %dma_start3A_137 = tpu.memref_slice %arg10[%dma_start3A_136] : memref<100000xf32, #tpu.memory_space<vmem_shared>> -> memref<100000xf32, #tpu.memory_space<vmem_shared>>
        tpu.enqueue_indirect_dma source(%dma_start3A_137 : memref<100000xf32, #tpu.memory_space<vmem_shared>>) target(%arg20 : memref<3200xf32, #tpu.memory_space<vmem>>) offsets(%arg12 : memref<3200xi32, #tpu.memory_space<vmem>>) semaphore(%arg29 : memref<!tpu.dma_semaphore, #tpu.memory_space<semaphore_mem>>)
      } else {
      }
      %dma_wait3A_91 = arith.constant 0 : i32
      %dma_wait3A_92 = tpu.memref_slice %arg8[%dma_wait3A_91] : memref<100000xf32, #tpu.memory_space<vmem_shared>> -> memref<100000xf32, #tpu.memory_space<vmem_shared>>
      tpu.wait_indirect_dma semaphore(%arg30 : memref<!tpu.dma_semaphore, #tpu.memory_space<semaphore_mem>>) src(%dma_wait3A_92 : memref<100000xf32, #tpu.memory_space<vmem_shared>>) dst(%arg21 : memref<3200xf32, #tpu.memory_space<vmem>>)
      %dma_wait3A_93 = arith.constant 0 : i32
      %dma_wait3A_94 = tpu.memref_slice %arg9[%dma_wait3A_93] : memref<100000xf32, #tpu.memory_space<vmem_shared>> -> memref<100000xf32, #tpu.memory_space<vmem_shared>>
      tpu.wait_indirect_dma semaphore(%arg30 : memref<!tpu.dma_semaphore, #tpu.memory_space<semaphore_mem>>) src(%dma_wait3A_94 : memref<100000xf32, #tpu.memory_space<vmem_shared>>) dst(%arg22 : memref<3200xf32, #tpu.memory_space<vmem>>)
      %dma_wait3A_95 = arith.constant 0 : i32
      %dma_wait3A_96 = tpu.memref_slice %arg10[%dma_wait3A_95] : memref<100000xf32, #tpu.memory_space<vmem_shared>> -> memref<100000xf32, #tpu.memory_space<vmem_shared>>
      tpu.wait_indirect_dma semaphore(%arg30 : memref<!tpu.dma_semaphore, #tpu.memory_space<semaphore_mem>>) src(%dma_wait3A_96 : memref<100000xf32, #tpu.memory_space<vmem_shared>>) dst(%arg23 : memref<3200xf32, #tpu.memory_space<vmem>>)
      %dma_wait3A_97 = arith.constant 0 : i32
      %dma_wait3A_98 = tpu.memref_slice %arg8[%dma_wait3A_97] : memref<100000xf32, #tpu.memory_space<vmem_shared>> -> memref<100000xf32, #tpu.memory_space<vmem_shared>>
      tpu.wait_indirect_dma semaphore(%arg30 : memref<!tpu.dma_semaphore, #tpu.memory_space<semaphore_mem>>) src(%dma_wait3A_98 : memref<100000xf32, #tpu.memory_space<vmem_shared>>) dst(%arg24 : memref<3200xf32, #tpu.memory_space<vmem>>)
      %dma_wait3A_99 = arith.constant 0 : i32
      %dma_wait3A_100 = tpu.memref_slice %arg9[%dma_wait3A_99] : memref<100000xf32, #tpu.memory_space<vmem_shared>> -> memref<100000xf32, #tpu.memory_space<vmem_shared>>
      tpu.wait_indirect_dma semaphore(%arg30 : memref<!tpu.dma_semaphore, #tpu.memory_space<semaphore_mem>>) src(%dma_wait3A_100 : memref<100000xf32, #tpu.memory_space<vmem_shared>>) dst(%arg25 : memref<3200xf32, #tpu.memory_space<vmem>>)
      %dma_wait3A_101 = arith.constant 0 : i32
      %dma_wait3A_102 = tpu.memref_slice %arg10[%dma_wait3A_101] : memref<100000xf32, #tpu.memory_space<vmem_shared>> -> memref<100000xf32, #tpu.memory_space<vmem_shared>>
      tpu.wait_indirect_dma semaphore(%arg30 : memref<!tpu.dma_semaphore, #tpu.memory_space<semaphore_mem>>) src(%dma_wait3A_102 : memref<100000xf32, #tpu.memory_space<vmem_shared>>) dst(%arg26 : memref<3200xf32, #tpu.memory_space<vmem>>)
      %gt3A_103 = arith.constant 0 : i32
      %gt3A_104 = arith.cmpi sgt, %scan3A_36, %gt3A_103 : i32
      %sub3A_105 = arith.constant 64 : i32
      %sub3A_106 = arith.subi %add3A_41, %sub3A_105 : i32
      %lt3A_107 = arith.constant 2000 : i32
      %lt3A_108 = arith.cmpi slt, %sub3A_106, %lt3A_107 : i32
      %and3A_109 = arith.andi %gt3A_104, %lt3A_108 : i1
      %convert_element_type3A_110 = arith.extui %and3A_109 : i1 to i32
      %cond3A_111 = arith.constant 0 : i32
      %cond3A_112 = arith.cmpi ne, %convert_element_type3A_110, %cond3A_111 : i32
      scf.if %cond3A_112 {
        %mul3A_119 = arith.constant 25 : i32
        %mul3A_120 = arith.muli %add3A_41, %mul3A_119 : i32
        %dma_wait3A_121 = arith.constant 0 : i32
        %dma_wait3A_122 = arith.constant 0 : i32
        %dma_wait3A_123 = tpu.memref_slice %arg7[%mul3A_120, %dma_wait3A_121, %dma_wait3A_122] : memref<50000x4x128xf32, #tpu.memory_space<hbm>> -> memref<25x4x128xf32, #tpu.memory_space<hbm>>
        %dma_wait3A_124 = arith.constant 0 : i32
        %dma_wait3A_125 = arith.constant 0 : i32
        %dma_wait3A_126 = tpu.memref_slice %arg7[%mul3A_120, %dma_wait3A_124, %dma_wait3A_125] : memref<50000x4x128xf32, #tpu.memory_space<hbm>> -> memref<25x4x128xf32, #tpu.memory_space<hbm>>
        tpu.wait_dma2 semaphore(%arg32 : memref<!tpu.dma_semaphore, #tpu.memory_space<semaphore_mem>>) src(%arg28 : memref<25x4x128xf32, #tpu.memory_space<vmem>>) dst(%dma_wait3A_126 : memref<25x4x128xf32, #tpu.memory_space<hbm>>)
      } else {
      }
      %parallel_loop3A_113 = arith.constant 0 : i32
      %parallel_loop3A_114 = arith.constant 200 : i32
      %parallel_loop3A_115 = arith.constant 1 : i32
      scf.for %parallel_loop3A_119 = %parallel_loop3A_113 to %parallel_loop3A_114 step %parallel_loop3A_115  : i32 {
        %parallel_loop3A_120 = arith.constant 16 : i32
        %parallel_loop3A_121 = arith.muli %parallel_loop3A_119, %parallel_loop3A_120 : i32
        %parallel_loop3A_122 = arith.constant 3 : i32
        %parallel_loop3A_123 = arith.shrsi %parallel_loop3A_119, %parallel_loop3A_122 : i32
        %parallel_loop3A_124 = arith.constant 7 : i32
        %parallel_loop3A_125 = arith.andi %parallel_loop3A_119, %parallel_loop3A_124 : i32
        %parallel_loop3A_126 = arith.constant 16 : i32
        %parallel_loop3A_127 = arith.muli %parallel_loop3A_125, %parallel_loop3A_126 : i32
        %parallel_loop3A_128 = arith.index_cast %parallel_loop3A_121 : i32 to index
        %parallel_loop3A_129 = tpu.vector_load %arg21[%parallel_loop3A_128] {strides = array<i32>} : memref<3200xf32, #tpu.memory_space<vmem>>, vector<16xf32>,
        %parallel_loop3A_130 = arith.index_cast %parallel_loop3A_121 : i32 to index
        %parallel_loop3A_131 = tpu.vector_load %arg24[%parallel_loop3A_130] {strides = array<i32>} : memref<3200xf32, #tpu.memory_space<vmem>>, vector<16xf32>,
        %parallel_loop3A_132 = arith.subf %parallel_loop3A_129, %parallel_loop3A_131 : vector<16xf32>
        %parallel_loop3A_133 = arith.constant 4.000000e+01 : f32
        %parallel_loop3A_134 = vector.broadcast %parallel_loop3A_133 : f32 to vector<16xf32>
        %parallel_loop3A_135 = arith.mulf %parallel_loop3A_132, %parallel_loop3A_134 : vector<16xf32>
        %parallel_loop3A_136 = arith.index_cast %parallel_loop3A_121 : i32 to index
        %parallel_loop3A_137 = tpu.vector_load %arg22[%parallel_loop3A_136] {strides = array<i32>} : memref<3200xf32, #tpu.memory_space<vmem>>, vector<16xf32>,
        %parallel_loop3A_138 = arith.index_cast %parallel_loop3A_121 : i32 to index
        %parallel_loop3A_139 = tpu.vector_load %arg25[%parallel_loop3A_138] {strides = array<i32>} : memref<3200xf32, #tpu.memory_space<vmem>>, vector<16xf32>,
        %parallel_loop3A_140 = arith.subf %parallel_loop3A_137, %parallel_loop3A_139 : vector<16xf32>
        %parallel_loop3A_141 = arith.constant 4.000000e+01 : f32
        %parallel_loop3A_142 = vector.broadcast %parallel_loop3A_141 : f32 to vector<16xf32>
        %parallel_loop3A_143 = arith.mulf %parallel_loop3A_140, %parallel_loop3A_142 : vector<16xf32>
        %parallel_loop3A_144 = arith.index_cast %parallel_loop3A_121 : i32 to index
        %parallel_loop3A_145 = tpu.vector_load %arg23[%parallel_loop3A_144] {strides = array<i32>} : memref<3200xf32, #tpu.memory_space<vmem>>, vector<16xf32>,
        %parallel_loop3A_146 = arith.index_cast %parallel_loop3A_121 : i32 to index
        %parallel_loop3A_147 = tpu.vector_load %arg26[%parallel_loop3A_146] {strides = array<i32>} : memref<3200xf32, #tpu.memory_space<vmem>>, vector<16xf32>,
        %parallel_loop3A_148 = arith.subf %parallel_loop3A_145, %parallel_loop3A_147 : vector<16xf32>
        %parallel_loop3A_149 = arith.constant 4.000000e+01 : f32
        %parallel_loop3A_150 = vector.broadcast %parallel_loop3A_149 : f32 to vector<16xf32>
        %parallel_loop3A_151 = arith.mulf %parallel_loop3A_148, %parallel_loop3A_150 : vector<16xf32>
        %parallel_loop3A_152 = arith.mulf %parallel_loop3A_135, %parallel_loop3A_135 : vector<16xf32>
        %parallel_loop3A_153 = arith.mulf %parallel_loop3A_143, %parallel_loop3A_143 : vector<16xf32>
        %parallel_loop3A_154 = arith.addf %parallel_loop3A_152, %parallel_loop3A_153 : vector<16xf32>
        %parallel_loop3A_155 = arith.mulf %parallel_loop3A_151, %parallel_loop3A_151 : vector<16xf32>
        %parallel_loop3A_156 = arith.addf %parallel_loop3A_154, %parallel_loop3A_155 : vector<16xf32>
        %parallel_loop3A_157 = arith.constant 1.000000e-30 : f32
        %parallel_loop3A_158 = vector.broadcast %parallel_loop3A_157 : f32 to vector<16xf32>
        %parallel_loop3A_159 = arith.maximumf %parallel_loop3A_156, %parallel_loop3A_158 : vector<16xf32>
        %parallel_loop3A_160 = tpu.bitcast %parallel_loop3A_159 : vector<16xf32> -> vector<16xi32>
        %parallel_loop3A_161 = arith.constant 1 : i32
        %parallel_loop3A_162 = vector.broadcast %parallel_loop3A_161 : i32 to vector<16xi32>
        %parallel_loop3A_163 = arith.shrsi %parallel_loop3A_160, %parallel_loop3A_162 : vector<16xi32>
        %parallel_loop3A_164 = arith.constant 1597463007 : i32
        %parallel_loop3A_165 = vector.broadcast %parallel_loop3A_164 : i32 to vector<16xi32>
        %parallel_loop3A_166 = arith.subi %parallel_loop3A_165, %parallel_loop3A_163 : vector<16xi32>
        %parallel_loop3A_167 = tpu.bitcast %parallel_loop3A_166 : vector<16xi32> -> vector<16xf32>
        %parallel_loop3A_168 = arith.constant 5.000000e-01 : f32
        %parallel_loop3A_169 = vector.broadcast %parallel_loop3A_168 : f32 to vector<16xf32>
        %parallel_loop3A_170 = arith.mulf %parallel_loop3A_169, %parallel_loop3A_159 : vector<16xf32>
        %parallel_loop3A_171 = arith.mulf %parallel_loop3A_170, %parallel_loop3A_167 : vector<16xf32>
        %parallel_loop3A_172 = arith.mulf %parallel_loop3A_171, %parallel_loop3A_167 : vector<16xf32>
        %parallel_loop3A_173 = arith.constant 1.500000e+00 : f32
        %parallel_loop3A_174 = vector.broadcast %parallel_loop3A_173 : f32 to vector<16xf32>
        %parallel_loop3A_175 = arith.subf %parallel_loop3A_174, %parallel_loop3A_172 : vector<16xf32>
        %parallel_loop3A_176 = arith.mulf %parallel_loop3A_167, %parallel_loop3A_175 : vector<16xf32>
        %parallel_loop3A_177 = arith.constant 5.000000e-01 : f32
        %parallel_loop3A_178 = vector.broadcast %parallel_loop3A_177 : f32 to vector<16xf32>
        %parallel_loop3A_179 = arith.mulf %parallel_loop3A_178, %parallel_loop3A_159 : vector<16xf32>
        %parallel_loop3A_180 = arith.mulf %parallel_loop3A_179, %parallel_loop3A_176 : vector<16xf32>
        %parallel_loop3A_181 = arith.mulf %parallel_loop3A_180, %parallel_loop3A_176 : vector<16xf32>
        %parallel_loop3A_182 = arith.constant 1.500000e+00 : f32
        %parallel_loop3A_183 = vector.broadcast %parallel_loop3A_182 : f32 to vector<16xf32>
        %parallel_loop3A_184 = arith.subf %parallel_loop3A_183, %parallel_loop3A_181 : vector<16xf32>
        %parallel_loop3A_185 = arith.mulf %parallel_loop3A_176, %parallel_loop3A_184 : vector<16xf32>
        %parallel_loop3A_186 = arith.constant 5.000000e-01 : f32
        %parallel_loop3A_187 = vector.broadcast %parallel_loop3A_186 : f32 to vector<16xf32>
        %parallel_loop3A_188 = arith.mulf %parallel_loop3A_187, %parallel_loop3A_159 : vector<16xf32>
        %parallel_loop3A_189 = arith.mulf %parallel_loop3A_188, %parallel_loop3A_185 : vector<16xf32>
        %parallel_loop3A_190 = arith.mulf %parallel_loop3A_189, %parallel_loop3A_185 : vector<16xf32>
        %parallel_loop3A_191 = arith.constant 1.500000e+00 : f32
        %parallel_loop3A_192 = vector.broadcast %parallel_loop3A_191 : f32 to vector<16xf32>
        %parallel_loop3A_193 = arith.subf %parallel_loop3A_192, %parallel_loop3A_190 : vector<16xf32>
        %parallel_loop3A_194 = arith.mulf %parallel_loop3A_185, %parallel_loop3A_193 : vector<16xf32>
        %parallel_loop3A_195 = arith.mulf %parallel_loop3A_159, %parallel_loop3A_194 : vector<16xf32>
        %parallel_loop3A_196 = arith.constant 0 : i32
        %parallel_loop3A_197 = arith.index_cast %parallel_loop3A_123 : i32 to index
        %parallel_loop3A_198 = arith.index_cast %parallel_loop3A_196 : i32 to index
        %parallel_loop3A_199 = arith.index_cast %parallel_loop3A_127 : i32 to index
        %parallel_loop3A_200 = tpu.vector_load %arg28[%parallel_loop3A_197, %parallel_loop3A_198, %parallel_loop3A_199] {strides = array<i32>} : memref<25x4x128xf32, #tpu.memory_space<vmem>>, vector<16xf32>,
        tpu.vector_store %arg28[%parallel_loop3A_197, %parallel_loop3A_198, %parallel_loop3A_199], %parallel_loop3A_135 {strides = array<i32>} : memref<25x4x128xf32, #tpu.memory_space<vmem>>, vector<16xf32>,
        %parallel_loop3A_201 = arith.constant 1 : i32
        %parallel_loop3A_202 = arith.index_cast %parallel_loop3A_123 : i32 to index
        %parallel_loop3A_203 = arith.index_cast %parallel_loop3A_201 : i32 to index
        %parallel_loop3A_204 = arith.index_cast %parallel_loop3A_127 : i32 to index
        %parallel_loop3A_205 = tpu.vector_load %arg28[%parallel_loop3A_202, %parallel_loop3A_203, %parallel_loop3A_204] {strides = array<i32>} : memref<25x4x128xf32, #tpu.memory_space<vmem>>, vector<16xf32>,
        tpu.vector_store %arg28[%parallel_loop3A_202, %parallel_loop3A_203, %parallel_loop3A_204], %parallel_loop3A_143 {strides = array<i32>} : memref<25x4x128xf32, #tpu.memory_space<vmem>>, vector<16xf32>,
        %parallel_loop3A_206 = arith.constant 2 : i32
        %parallel_loop3A_207 = arith.index_cast %parallel_loop3A_123 : i32 to index
        %parallel_loop3A_208 = arith.index_cast %parallel_loop3A_206 : i32 to index
        %parallel_loop3A_209 = arith.index_cast %parallel_loop3A_127 : i32 to index
        %parallel_loop3A_210 = tpu.vector_load %arg28[%parallel_loop3A_207, %parallel_loop3A_208, %parallel_loop3A_209] {strides = array<i32>} : memref<25x4x128xf32, #tpu.memory_space<vmem>>, vector<16xf32>,
        tpu.vector_store %arg28[%parallel_loop3A_207, %parallel_loop3A_208, %parallel_loop3A_209], %parallel_loop3A_151 {strides = array<i32>} : memref<25x4x128xf32, #tpu.memory_space<vmem>>, vector<16xf32>,
        %parallel_loop3A_211 = arith.constant 3 : i32
        %parallel_loop3A_212 = arith.index_cast %parallel_loop3A_123 : i32 to index
        %parallel_loop3A_213 = arith.index_cast %parallel_loop3A_211 : i32 to index
        %parallel_loop3A_214 = arith.index_cast %parallel_loop3A_127 : i32 to index
        %parallel_loop3A_215 = tpu.vector_load %arg28[%parallel_loop3A_212, %parallel_loop3A_213, %parallel_loop3A_214] {strides = array<i32>} : memref<25x4x128xf32, #tpu.memory_space<vmem>>, vector<16xf32>,
        tpu.vector_store %arg28[%parallel_loop3A_212, %parallel_loop3A_213, %parallel_loop3A_214], %parallel_loop3A_195 {strides = array<i32>} : memref<25x4x128xf32, #tpu.memory_space<vmem>>, vector<16xf32>,
      } {sc.loop_unroll_factor = 4 : i64, sc.parallel_access}
      %convert_element_type3A_116 = arith.extui %lt3A_45 : i1 to i32
      %cond3A_117 = arith.constant 0 : i32
      %cond3A_118 = arith.cmpi ne, %convert_element_type3A_116, %cond3A_117 : i32
      scf.if %cond3A_118 {
        %mul3A_119 = arith.constant 25 : i32
        %mul3A_120 = arith.muli %add3A_41, %mul3A_119 : i32
        %dma_start3A_121 = arith.constant 0 : i32
        %dma_start3A_122 = arith.constant 0 : i32
        %dma_start3A_123 = tpu.memref_slice %arg7[%mul3A_120, %dma_start3A_121, %dma_start3A_122] : memref<50000x4x128xf32, #tpu.memory_space<hbm>> -> memref<25x4x128xf32, #tpu.memory_space<hbm>>
        %dma_start3A_124 = arith.constant 0 : i32
        %dma_start3A_125 = arith.constant 0 : i32
        %dma_start3A_126 = tpu.memref_slice %arg7[%mul3A_120, %dma_start3A_124, %dma_start3A_125] : memref<50000x4x128xf32, #tpu.memory_space<hbm>> -> memref<25x4x128xf32, #tpu.memory_space<hbm>>
        tpu.enqueue_dma source(%arg28 : memref<25x4x128xf32, #tpu.memory_space<vmem>>) target(%dma_start3A_126 : memref<25x4x128xf32, #tpu.memory_space<hbm>>) target_semaphore(%arg32 : memref<!tpu.dma_semaphore, #tpu.memory_space<semaphore_mem>>)
      } else {
      }
    }
    %scan3A_20 = arith.constant 32 : i32
    %add3A_21 = arith.constant 1984 : i32
    %add3A_22 = arith.addi %add3A, %add3A_21 : i32
    %lt3A = arith.constant 2000 : i32
    %lt3A_23 = arith.cmpi slt, %add3A_22, %lt3A : i32
    %convert_element_type3A_24 = arith.extui %lt3A_23 : i1 to i32
    %cond3A_25 = arith.constant 0 : i32
    %cond3A_26 = arith.cmpi ne, %convert_element_type3A_24, %cond3A_25 : i32
    scf.if %cond3A_26 {
      %mul3A_36 = arith.constant 25 : i32
      %mul3A_37 = arith.muli %add3A, %mul3A_36 : i32
      %dma_wait3A = arith.constant 0 : i32
      %dma_wait3A_38 = arith.constant 0 : i32
      %dma_wait3A_39 = tpu.memref_slice %arg7[%mul3A_37, %dma_wait3A, %dma_wait3A_38] : memref<50000x4x128xf32, #tpu.memory_space<hbm>> -> memref<25x4x128xf32, #tpu.memory_space<hbm>>
      %dma_wait3A_40 = arith.constant 0 : i32
      %dma_wait3A_41 = arith.constant 0 : i32
      %dma_wait3A_42 = tpu.memref_slice %arg7[%mul3A_37, %dma_wait3A_40, %dma_wait3A_41] : memref<50000x4x128xf32, #tpu.memory_space<hbm>> -> memref<25x4x128xf32, #tpu.memory_space<hbm>>
      tpu.wait_dma2 semaphore(%arg31 : memref<!tpu.dma_semaphore, #tpu.memory_space<semaphore_mem>>) src(%arg27 : memref<25x4x128xf32, #tpu.memory_space<vmem>>) dst(%dma_wait3A_42 : memref<25x4x128xf32, #tpu.memory_space<hbm>>)
    } else {
    }
    %add3A_27 = arith.constant 1984 : i32
    %add3A_28 = arith.addi %add3A, %add3A_27 : i32
    %add3A_29 = arith.constant 32 : i32
    %add3A_30 = arith.addi %add3A_28, %add3A_29 : i32
    %lt3A_31 = arith.constant 2000 : i32
    %lt3A_32 = arith.cmpi slt, %add3A_30, %lt3A_31 : i32
    %convert_element_type3A_33 = arith.extui %lt3A_32 : i1 to i32
    %cond3A_34 = arith.constant 0 : i32
    %cond3A_35 = arith.cmpi ne, %convert_element_type3A_33, %cond3A_34 : i32
    scf.if %cond3A_35 {
      %mul3A_36 = arith.constant 25 : i32
      %mul3A_37 = arith.muli %add3A, %mul3A_36 : i32
      %dma_wait3A = arith.constant 0 : i32
      %dma_wait3A_38 = arith.constant 0 : i32
      %dma_wait3A_39 = tpu.memref_slice %arg7[%mul3A_37, %dma_wait3A, %dma_wait3A_38] : memref<50000x4x128xf32, #tpu.memory_space<hbm>> -> memref<25x4x128xf32, #tpu.memory_space<hbm>>
      %dma_wait3A_40 = arith.constant 0 : i32
      %dma_wait3A_41 = arith.constant 0 : i32
      %dma_wait3A_42 = tpu.memref_slice %arg7[%mul3A_37, %dma_wait3A_40, %dma_wait3A_41] : memref<50000x4x128xf32, #tpu.memory_space<hbm>> -> memref<25x4x128xf32, #tpu.memory_space<hbm>>
      tpu.wait_dma2 semaphore(%arg32 : memref<!tpu.dma_semaphore, #tpu.memory_space<semaphore_mem>>) src(%arg28 : memref<25x4x128xf32, #tpu.memory_space<vmem>>) dst(%dma_wait3A_42 : memref<25x4x128xf32, #tpu.memory_space<hbm>>)
    } else {
    }
    return
  }
}

module attributes {stable_mosaic.version = 14 : i64} {
  func.func @_node_body(%arg0: i32, %arg1: memref<2000x18xf32, #tpu.memory_space<vmem>>, %arg2: memref<2000x1xi32, #tpu.memory_space<vmem>>, %arg3: memref<9x16xf32, #tpu.memory_space<vmem>>, %arg4: memref<2000x37xf32, #tpu.memory_space<vmem>>) attributes {dimension_semantics = [#tpu.dimension_semantics<arbitrary>], iteration_bounds = array<i64: 50>, scalar_prefetch = 0 : i64, scratch_operands = 0 : i64, tpu.core_type = #tpu.core_type<tc>, window_params = [{transform_indices = @transform_0, window_bounds = array<i64: 2000, 18>}, {transform_indices = @transform_1, window_bounds = array<i64: 2000, 1>}, {pipeline_mode = #tpu.pipeline_mode<synchronous>, transform_indices = @transform_2, window_bounds = array<i64: 9, 16>}, {transform_indices = @transform_3, window_bounds = array<i64: 2000, 37>}]} {
    %get3A = arith.constant 0 : index
    %get3A_0 = arith.constant 0 : index
    %get3A_1 = vector.load %arg1[%get3A, %get3A_0] : memref<2000x18xf32, #tpu.memory_space<vmem>>, vector<2000x18xf32>
    %slice3A = vector.extract_strided_slice %get3A_1 {offsets = [0, 3], sizes = [2000, 15], strides = [1, 1]} : vector<2000x18xf32> to vector<2000x15xf32>
    %slice3A_2 = vector.extract_strided_slice %get3A_1 {offsets = [0, 0], sizes = [2000, 15], strides = [1, 1]} : vector<2000x18xf32> to vector<2000x15xf32>
    %sub3A = arith.subf %slice3A, %slice3A_2 : vector<2000x15xf32>
    %slice3A_3 = vector.extract_strided_slice %get3A_1 {offsets = [0, 15], sizes = [2000, 3], strides = [1, 1]} : vector<2000x18xf32> to vector<2000x3xf32>
    %sub3A_4 = arith.constant 1.000000e+00 : f32
    %sub3A_5 = vector.broadcast %sub3A_4 : f32 to vector<2000x3xf32>
    %sub3A_6 = arith.subf %sub3A_5, %slice3A_3 : vector<2000x3xf32>
    %concatenate3A = tpu.concatenate %slice3A_3, %sub3A_6 in 1 : vector<2000x3xf32>, vector<2000x3xf32> -> vector<2000x6xf32>
    %mul3A = arith.constant 4.000000e+01 : f32
    %mul3A_7 = vector.broadcast %mul3A : f32 to vector<2000x6xf32>
    %mul3A_8 = arith.mulf %concatenate3A, %mul3A_7 : vector<2000x6xf32>
    %jit3A = arith.constant -1.000000e+00 : f32
    %jit3A_9 = arith.constant 1.000000e+00 : f32
    %max3A = vector.broadcast %jit3A : f32 to vector<2000x6xf32>
    %max3A_10 = arith.maximumf %max3A, %mul3A_8 : vector<2000x6xf32>
    %min3A = vector.broadcast %jit3A_9 : f32 to vector<2000x6xf32>
    %min3A_11 = arith.minimumf %min3A, %max3A_10 : vector<2000x6xf32>
    %get3A_12 = arith.constant 0 : index
    %get3A_13 = arith.constant 0 : index
    %get3A_14 = vector.load %arg2[%get3A_12, %get3A_13] : memref<2000x1xi32, #tpu.memory_space<vmem>>, vector<2000x1xi32>
    %get3A_15 = arith.constant 0 : index
    %get3A_16 = arith.constant 0 : index
    %get3A_17 = vector.load %arg3[%get3A_15, %get3A_16] : memref<9x16xf32, #tpu.memory_space<vmem>>, vector<9x16xf32>
    %broadcast_in_dim3A = arith.constant 0.000000e+00 : f32
    %broadcast_in_dim3A_18 = vector.broadcast %broadcast_in_dim3A : f32 to vector<2000x16xf32>
    %eq3A = arith.constant 0 : i32
    %eq3A_19 = vector.broadcast %eq3A : i32 to vector<2000x1xi32>
    %eq3A_20 = arith.cmpi eq, %get3A_14, %eq3A_19 : vector<2000x1xi32>
    %convert_element_type3A = arith.extui %eq3A_20 : vector<2000x1xi1> to vector<2000x1xi32>
    %convert_element_type3A_21 = arith.sitofp %convert_element_type3A : vector<2000x1xi32> to vector<2000x1xf32>
    %slice3A_22 = vector.extract_strided_slice %get3A_17 {offsets = [0, 0], sizes = [1, 16], strides = [1, 1]} : vector<9x16xf32> to vector<1x16xf32>
    %squeeze3A = vector.shape_cast %slice3A_22 : vector<1x16xf32> to vector<16xf32>
    %broadcast_in_dim3A_23 = vector.shape_cast %squeeze3A : vector<16xf32> to vector<1x16xf32>
    %mul3A_24 = vector.broadcast %convert_element_type3A_21 : vector<2000x1xf32> to vector<2000x16xf32>
    %mul3A_25 = vector.broadcast %broadcast_in_dim3A_23 : vector<1x16xf32> to vector<2000x16xf32>
    %mul3A_26 = arith.mulf %mul3A_24, %mul3A_25 : vector<2000x16xf32>
    %add3A = arith.addf %broadcast_in_dim3A_18, %mul3A_26 : vector<2000x16xf32>
    %eq3A_27 = arith.constant 1 : i32
    %eq3A_28 = vector.broadcast %eq3A_27 : i32 to vector<2000x1xi32>
    %eq3A_29 = arith.cmpi eq, %get3A_14, %eq3A_28 : vector<2000x1xi32>
    %convert_element_type3A_30 = arith.extui %eq3A_29 : vector<2000x1xi1> to vector<2000x1xi32>
    %convert_element_type3A_31 = arith.sitofp %convert_element_type3A_30 : vector<2000x1xi32> to vector<2000x1xf32>
    %slice3A_32 = vector.extract_strided_slice %get3A_17 {offsets = [1, 0], sizes = [1, 16], strides = [1, 1]} : vector<9x16xf32> to vector<1x16xf32>
    %squeeze3A_33 = vector.shape_cast %slice3A_32 : vector<1x16xf32> to vector<16xf32>
    %broadcast_in_dim3A_34 = vector.shape_cast %squeeze3A_33 : vector<16xf32> to vector<1x16xf32>
    %mul3A_35 = vector.broadcast %convert_element_type3A_31 : vector<2000x1xf32> to vector<2000x16xf32>
    %mul3A_36 = vector.broadcast %broadcast_in_dim3A_34 : vector<1x16xf32> to vector<2000x16xf32>
    %mul3A_37 = arith.mulf %mul3A_35, %mul3A_36 : vector<2000x16xf32>
    %add3A_38 = arith.addf %add3A, %mul3A_37 : vector<2000x16xf32>
    %eq3A_39 = arith.constant 2 : i32
    %eq3A_40 = vector.broadcast %eq3A_39 : i32 to vector<2000x1xi32>
    %eq3A_41 = arith.cmpi eq, %get3A_14, %eq3A_40 : vector<2000x1xi32>
    %convert_element_type3A_42 = arith.extui %eq3A_41 : vector<2000x1xi1> to vector<2000x1xi32>
    %convert_element_type3A_43 = arith.sitofp %convert_element_type3A_42 : vector<2000x1xi32> to vector<2000x1xf32>
    %slice3A_44 = vector.extract_strided_slice %get3A_17 {offsets = [2, 0], sizes = [1, 16], strides = [1, 1]} : vector<9x16xf32> to vector<1x16xf32>
    %squeeze3A_45 = vector.shape_cast %slice3A_44 : vector<1x16xf32> to vector<16xf32>
    %broadcast_in_dim3A_46 = vector.shape_cast %squeeze3A_45 : vector<16xf32> to vector<1x16xf32>
    %mul3A_47 = vector.broadcast %convert_element_type3A_43 : vector<2000x1xf32> to vector<2000x16xf32>
    %mul3A_48 = vector.broadcast %broadcast_in_dim3A_46 : vector<1x16xf32> to vector<2000x16xf32>
    %mul3A_49 = arith.mulf %mul3A_47, %mul3A_48 : vector<2000x16xf32>
    %add3A_50 = arith.addf %add3A_38, %mul3A_49 : vector<2000x16xf32>
    %eq3A_51 = arith.constant 3 : i32
    %eq3A_52 = vector.broadcast %eq3A_51 : i32 to vector<2000x1xi32>
    %eq3A_53 = arith.cmpi eq, %get3A_14, %eq3A_52 : vector<2000x1xi32>
    %convert_element_type3A_54 = arith.extui %eq3A_53 : vector<2000x1xi1> to vector<2000x1xi32>
    %convert_element_type3A_55 = arith.sitofp %convert_element_type3A_54 : vector<2000x1xi32> to vector<2000x1xf32>
    %slice3A_56 = vector.extract_strided_slice %get3A_17 {offsets = [3, 0], sizes = [1, 16], strides = [1, 1]} : vector<9x16xf32> to vector<1x16xf32>
    %squeeze3A_57 = vector.shape_cast %slice3A_56 : vector<1x16xf32> to vector<16xf32>
    %broadcast_in_dim3A_58 = vector.shape_cast %squeeze3A_57 : vector<16xf32> to vector<1x16xf32>
    %mul3A_59 = vector.broadcast %convert_element_type3A_55 : vector<2000x1xf32> to vector<2000x16xf32>
    %mul3A_60 = vector.broadcast %broadcast_in_dim3A_58 : vector<1x16xf32> to vector<2000x16xf32>
    %mul3A_61 = arith.mulf %mul3A_59, %mul3A_60 : vector<2000x16xf32>
    %add3A_62 = arith.addf %add3A_50, %mul3A_61 : vector<2000x16xf32>
    %eq3A_63 = arith.constant 4 : i32
    %eq3A_64 = vector.broadcast %eq3A_63 : i32 to vector<2000x1xi32>
    %eq3A_65 = arith.cmpi eq, %get3A_14, %eq3A_64 : vector<2000x1xi32>
    %convert_element_type3A_66 = arith.extui %eq3A_65 : vector<2000x1xi1> to vector<2000x1xi32>
    %convert_element_type3A_67 = arith.sitofp %convert_element_type3A_66 : vector<2000x1xi32> to vector<2000x1xf32>
    %slice3A_68 = vector.extract_strided_slice %get3A_17 {offsets = [4, 0], sizes = [1, 16], strides = [1, 1]} : vector<9x16xf32> to vector<1x16xf32>
    %squeeze3A_69 = vector.shape_cast %slice3A_68 : vector<1x16xf32> to vector<16xf32>
    %broadcast_in_dim3A_70 = vector.shape_cast %squeeze3A_69 : vector<16xf32> to vector<1x16xf32>
    %mul3A_71 = vector.broadcast %convert_element_type3A_67 : vector<2000x1xf32> to vector<2000x16xf32>
    %mul3A_72 = vector.broadcast %broadcast_in_dim3A_70 : vector<1x16xf32> to vector<2000x16xf32>
    %mul3A_73 = arith.mulf %mul3A_71, %mul3A_72 : vector<2000x16xf32>
    %add3A_74 = arith.addf %add3A_62, %mul3A_73 : vector<2000x16xf32>
    %eq3A_75 = arith.constant 5 : i32
    %eq3A_76 = vector.broadcast %eq3A_75 : i32 to vector<2000x1xi32>
    %eq3A_77 = arith.cmpi eq, %get3A_14, %eq3A_76 : vector<2000x1xi32>
    %convert_element_type3A_78 = arith.extui %eq3A_77 : vector<2000x1xi1> to vector<2000x1xi32>
    %convert_element_type3A_79 = arith.sitofp %convert_element_type3A_78 : vector<2000x1xi32> to vector<2000x1xf32>
    %slice3A_80 = vector.extract_strided_slice %get3A_17 {offsets = [5, 0], sizes = [1, 16], strides = [1, 1]} : vector<9x16xf32> to vector<1x16xf32>
    %squeeze3A_81 = vector.shape_cast %slice3A_80 : vector<1x16xf32> to vector<16xf32>
    %broadcast_in_dim3A_82 = vector.shape_cast %squeeze3A_81 : vector<16xf32> to vector<1x16xf32>
    %mul3A_83 = vector.broadcast %convert_element_type3A_79 : vector<2000x1xf32> to vector<2000x16xf32>
    %mul3A_84 = vector.broadcast %broadcast_in_dim3A_82 : vector<1x16xf32> to vector<2000x16xf32>
    %mul3A_85 = arith.mulf %mul3A_83, %mul3A_84 : vector<2000x16xf32>
    %add3A_86 = arith.addf %add3A_74, %mul3A_85 : vector<2000x16xf32>
    %eq3A_87 = arith.constant 6 : i32
    %eq3A_88 = vector.broadcast %eq3A_87 : i32 to vector<2000x1xi32>
    %eq3A_89 = arith.cmpi eq, %get3A_14, %eq3A_88 : vector<2000x1xi32>
    %convert_element_type3A_90 = arith.extui %eq3A_89 : vector<2000x1xi1> to vector<2000x1xi32>
    %convert_element_type3A_91 = arith.sitofp %convert_element_type3A_90 : vector<2000x1xi32> to vector<2000x1xf32>
    %slice3A_92 = vector.extract_strided_slice %get3A_17 {offsets = [6, 0], sizes = [1, 16], strides = [1, 1]} : vector<9x16xf32> to vector<1x16xf32>
    %squeeze3A_93 = vector.shape_cast %slice3A_92 : vector<1x16xf32> to vector<16xf32>
    %broadcast_in_dim3A_94 = vector.shape_cast %squeeze3A_93 : vector<16xf32> to vector<1x16xf32>
    %mul3A_95 = vector.broadcast %convert_element_type3A_91 : vector<2000x1xf32> to vector<2000x16xf32>
    %mul3A_96 = vector.broadcast %broadcast_in_dim3A_94 : vector<1x16xf32> to vector<2000x16xf32>
    %mul3A_97 = arith.mulf %mul3A_95, %mul3A_96 : vector<2000x16xf32>
    %add3A_98 = arith.addf %add3A_86, %mul3A_97 : vector<2000x16xf32>
    %eq3A_99 = arith.constant 7 : i32
    %eq3A_100 = vector.broadcast %eq3A_99 : i32 to vector<2000x1xi32>
    %eq3A_101 = arith.cmpi eq, %get3A_14, %eq3A_100 : vector<2000x1xi32>
    %convert_element_type3A_102 = arith.extui %eq3A_101 : vector<2000x1xi1> to vector<2000x1xi32>
    %convert_element_type3A_103 = arith.sitofp %convert_element_type3A_102 : vector<2000x1xi32> to vector<2000x1xf32>
    %slice3A_104 = vector.extract_strided_slice %get3A_17 {offsets = [7, 0], sizes = [1, 16], strides = [1, 1]} : vector<9x16xf32> to vector<1x16xf32>
    %squeeze3A_105 = vector.shape_cast %slice3A_104 : vector<1x16xf32> to vector<16xf32>
    %broadcast_in_dim3A_106 = vector.shape_cast %squeeze3A_105 : vector<16xf32> to vector<1x16xf32>
    %mul3A_107 = vector.broadcast %convert_element_type3A_103 : vector<2000x1xf32> to vector<2000x16xf32>
    %mul3A_108 = vector.broadcast %broadcast_in_dim3A_106 : vector<1x16xf32> to vector<2000x16xf32>
    %mul3A_109 = arith.mulf %mul3A_107, %mul3A_108 : vector<2000x16xf32>
    %add3A_110 = arith.addf %add3A_98, %mul3A_109 : vector<2000x16xf32>
    %eq3A_111 = arith.constant 8 : i32
    %eq3A_112 = vector.broadcast %eq3A_111 : i32 to vector<2000x1xi32>
    %eq3A_113 = arith.cmpi eq, %get3A_14, %eq3A_112 : vector<2000x1xi32>
    %convert_element_type3A_114 = arith.extui %eq3A_113 : vector<2000x1xi1> to vector<2000x1xi32>
    %convert_element_type3A_115 = arith.sitofp %convert_element_type3A_114 : vector<2000x1xi32> to vector<2000x1xf32>
    %slice3A_116 = vector.extract_strided_slice %get3A_17 {offsets = [8, 0], sizes = [1, 16], strides = [1, 1]} : vector<9x16xf32> to vector<1x16xf32>
    %squeeze3A_117 = vector.shape_cast %slice3A_116 : vector<1x16xf32> to vector<16xf32>
    %broadcast_in_dim3A_118 = vector.shape_cast %squeeze3A_117 : vector<16xf32> to vector<1x16xf32>
    %mul3A_119 = vector.broadcast %convert_element_type3A_115 : vector<2000x1xf32> to vector<2000x16xf32>
    %mul3A_120 = vector.broadcast %broadcast_in_dim3A_118 : vector<1x16xf32> to vector<2000x16xf32>
    %mul3A_121 = arith.mulf %mul3A_119, %mul3A_120 : vector<2000x16xf32>
    %add3A_122 = arith.addf %add3A_110, %mul3A_121 : vector<2000x16xf32>
    %concatenate3A_123 = tpu.concatenate %sub3A, %min3A_11, %add3A_122 in 1 : vector<2000x15xf32>, vector<2000x6xf32>, vector<2000x16xf32> -> vector<2000x37xf32>
    %swap3A = arith.constant 0 : index
    %swap3A_124 = arith.constant 0 : index
    %swap3A_125 = vector.load %arg4[%swap3A, %swap3A_124] : memref<2000x37xf32, #tpu.memory_space<vmem>>, vector<2000x37xf32>
    tpu.vector_store %arg4[%swap3A, %swap3A_124], %concatenate3A_123 {strides = array<i32>} : memref<2000x37xf32, #tpu.memory_space<vmem>>, vector<2000x37xf32>,
    return
  }
  func.func @transform_0(%arg0: i32) -> (i32, i32) {
    %c0_i32 = arith.constant 0 : i32
    %c0_i32_0 = arith.constant 0 : i32
    return %arg0, %c0_i32 : i32, i32
  }
  func.func @transform_1(%arg0: i32) -> (i32, i32) {
    %c0_i32 = arith.constant 0 : i32
    %c0_i32_0 = arith.constant 0 : i32
    return %arg0, %c0_i32 : i32, i32
  }
  func.func @transform_2(%arg0: i32) -> (i32, i32) {
    %c0_i32 = arith.constant 0 : i32
    %c0_i32_0 = arith.constant 0 : i32
    %c0_i32_1 = arith.constant 0 : i32
    return %c0_i32, %c0_i32_0 : i32, i32
  }
  func.func @transform_3(%arg0: i32) -> (i32, i32) {
    %c0_i32 = arith.constant 0 : i32
    %c0_i32_0 = arith.constant 0 : i32
    return %arg0, %c0_i32 : i32, i32
  }
}

</mosaic_0001>

<sc_bundles>
// kernel: kernel.4.cloned.1.call-start
scs
__scs_entry_jumppad:
0x0: {  	(pc) =	sbr.rel $0x88, $3  }
0x1: {  	(tag) =	ssettag $0x0;
	lr =	simm.s32 $0x1  }
0x2: {  	[smem:$0x3F9C] =	sst lr;
	_ =	strace $0xD0000000  }
0x3: {  	_ = 	snop  }
0x4: {  	_ = 	snop  }
0x5: {  	_ = 	snop  }
0x6: {  	_ = 	snop  }
0x7: {  	_ = 	snop  }
__scs_overlays_trampoline_lowered:
0x8: {  	[smem:$0x3FAB] =	sst s0  }
0x9: {  	[smem:$0x3FAC] =	sst s1  }
0xa: {  	[smem:$0x3FAD] =	sst s2  }
0xb: {  	[smem:$0x3FAE] =	sst s3  }
0xc: {  	[smem:$0x3FAF] =	sst s4  }
0xd: {  	[smem:$0x3FB0] =	sst s5  }
0xe: {  	[smem:$0x3FB1] =	sst s6  }
0xf: {  	[smem:$0x3FB2] =	sst s7  }
0x10: {  	[smem:$0x3FB3] =	sst s8  }
0x11: {  	[smem:$0x3FB4] =	sst s9;
	s0 =	simm.s32 @!p0 $0x0  }
0x12: {  	s1 =	sld [smem:$0x3F9A];
	s0 =	simm.s32 @p0 $0x1  }
0x13: {  	[smem:$0x3FB5] =	sst s0;
	s0 =	simm.s32 @!p1 $0x0  }
0x14: {  	s2 =	sld [smem:$0x3F99];
	s0 =	simm.s32 @p1 $0x1  }
0x15: {  	[smem:$0x3FB6] =	sst s0;
	s0 =	simm.s32 @!p2 $0x0  }
0x16: {  	s3 =	sld [smem:$0x3FDB];
	s0 =	simm.s32 @p2 $0x1  }
0x17: {  	s4 =	simm.s32 $0x1BF5;
	[smem:$0x3FB8] =	sst s0  }
0x18: {  	s0 =	sld [smem:$0x3F9B];
	_ =	swait.ge [sflag:s4], $0x0  }
0x19: {  	s7 =	sld [smem:$0x3F9C]  }
0x1a: {  	s8 =	sadd.s32 $0xFFFFE003, lr  }
0x1b: {  	s9 =	sadd.s32 $0xFFFFFEF7, lr;
	s5 =	simm.s32 $0xFFFFFFFF;
	p2 =	slt.u32 s8, $0xFFFFF086  }
0x1c: {  	p1 =	slt.u32 s9, $0xF7A;
	s5 =	simm.s32 @!p2 $0x0  }
0x1d: {  	s5 =	simm.s32 @p1 $0x1;
	p0 =	seq.s32 s7, s2  }
0x1e: {  	s7 =	smul.u32 @!p0 $0xF7A, s2;
	p2 =	seq.s32 @!p0 s5, $0x0  }
0x1f: {  	s9 =	smul.u32 $0xF7A, s1;
	s8 =	simm.s32 @!p0 $0x1BF5;
	p2 =	por !p2, p0  }
0x20: {  	[sflag:s8] =	ssyncset.s32 @!p0 $0xFFFFF086;
	s6 =	sadd.s32 @!p0 s3, s7;
	s7 =	simm.s32 @!p0 $0x108  }
0x21: {  	s3 =	sadd.s32 s3, s9;
	s6 =	sadd.s32 @!p0 $0x88, s6;
	s7 =	simm.s32 @p2 $0x1082  }
0x22: {  	[simem:s7], [sflag:s8] =	dma.local @!p0 [hbm:s6], $0xF7A  }
0x23: {  	s9 =	sor.u32 $0xD0000000, s2;
	s6 =	simm.s32 $0x108;
	_ =	swait.ge @!p0 [sflag:s8], $0x0  }
0x24: {  	s3 =	sadd.s32 $0x88, s3;
	s6 =	simm.s32 @!p1 $0x1082;
	[sflag:s4] =	ssyncset.s32 $0xFFFFF086  }
0x25: {  	[simem:s6], [sflag:s4] =	dma.local [hbm:s3], $0xF7A  }
0x26: {  	[smem:$0x3F9C] =	sst s1;
	(tag) =	ssettag s2;
	_ =	strace s9  }
0x27: {  	s1 =	sld [smem:$0x3FAC]  }
0x28: {  	s2 =	sld [smem:$0x3FAD]  }
0x29: {  	s4 =	sld [smem:$0x3FAF]  }
0x2a: {  	p0 =	seq.s32 s5, $0x0;
	s5 =	sld [smem:$0x3FB0]  }
0x2b: {  	s6 =	sld [smem:$0x3FB1]  }
0x2c: {  	s7 =	sld [smem:$0x3FB2]  }
0x2d: {  	s3 =	simm.s32 $0x108;
	s8 =	sld [smem:$0x3FB3]  }
0x2e: {  	s3 =	simm.s32 @!p0 $0x1082;
	s9 =	sld [smem:$0x3FB4]  }
0x2f: {  	lr =	sadd.s32 s0, s3;
	s0 =	sld [smem:$0x3FAB]  }
0x30: {  	s3 =	sld [smem:$0x3FAE]  }
0x31: {  	[smem:$0x3FB7] =	sst s10  }
0x32: {  	s10 =	sld [smem:$0x3FB5];
	_ =	sdelay $0x3  }
0x33: {  	p0 =	seq.s32 s10, $0x1;
	s10 =	sld [smem:$0x3FB7];
	_ =	sdelay $0x3  }
0x34: {  	[smem:$0x3FB7] =	sst s10  }
0x35: {  	s10 =	sld [smem:$0x3FB6];
	_ =	sdelay $0x3  }
0x36: {  	p1 =	seq.s32 s10, $0x1;
	s10 =	sld [smem:$0x3FB7];
	_ =	sdelay $0x3  }
0x37: {  	[smem:$0x3FB7] =	sst s10  }
0x38: {  	s10 =	sld [smem:$0x3FB8]  }
0x39: {  	_ = 	snop;
	(pc) =	sbr.ind lr, $3  }
0x3a: {  	_ = 	snop  }
0x3b: {  	_ = 	snop  }
0x3c: {  	p2 =	seq.s32 s10, $0x1;
	s10 =	sld [smem:$0x3FB7]  }
0x3d: {  	_ =	shalt  }
0x3e: {  	_ =	shalt  }
0x3f: {  	_ =	shalt  }
0x40: {  	_ =	shalt  }
0x41: {  	_ =	shalt  }
0x42: {  	_ =	shalt  }
0x43: {  	_ =	shalt  }
0x44: {  	_ =	shalt  }
0x45: {  	_ =	shalt  }
0x46: {  	_ =	shalt  }
0x47: {  	_ =	shalt  }
0x48: {  	_ =	shalt  }
0x49: {  	_ =	shalt  }
0x4a: {  	_ =	shalt  }
0x4b: {  	_ =	shalt  }
0x4c: {  	_ =	shalt  }
0x4d: {  	_ =	shalt  }
0x4e: {  	_ =	shalt  }
0x4f: {  	_ =	shalt  }
0x50: {  	_ =	shalt  }
0x51: {  	_ =	shalt  }
0x52: {  	_ =	shalt  }
0x53: {  	_ =	shalt  }
0x54: {  	_ =	shalt  }
0x55: {  	_ =	shalt  }
0x56: {  	_ =	shalt  }
0x57: {  	_ =	shalt  }
0x58: {  	_ =	shalt  }
0x59: {  	_ =	shalt  }
0x5a: {  	_ =	shalt  }
0x5b: {  	_ =	shalt  }
0x5c: {  	_ =	shalt  }
0x5d: {  	_ =	shalt  }
0x5e: {  	_ =	shalt  }
0x5f: {  	_ =	shalt  }
0x60: {  	_ =	shalt  }
0x61: {  	_ =	shalt  }
0x62: {  	_ =	shalt  }
0x63: {  	_ =	shalt  }
0x64: {  	_ =	shalt  }
0x65: {  	_ =	shalt  }
0x66: {  	_ =	shalt  }
0x67: {  	_ =	shalt  }
0x68: {  	_ =	shalt  }
0x69: {  	_ =	shalt  }
0x6a: {  	_ =	shalt  }
0x6b: {  	_ =	shalt  }
0x6c: {  	_ =	shalt  }
0x6d: {  	_ =	shalt  }
0x6e: {  	_ =	shalt  }
0x6f: {  	_ =	shalt  }
0x70: {  	_ =	shalt  }
0x71: {  	_ =	shalt  }
0x72: {  	_ =	shalt  }
0x73: {  	_ =	shalt  }
0x74: {  	_ =	shalt  }
0x75: {  	_ =	shalt  }
0x76: {  	_ =	shalt  }
0x77: {  	_ =	shalt  }
0x78: {  	_ =	shalt  }
0x79: {  	_ =	shalt  }
0x7a: {  	_ =	shalt  }
0x7b: {  	_ =	shalt  }
0x7c: {  	_ =	shalt  }
0x7d: {  	_ =	shalt  }
0x7e: {  	_ =	shalt  }
0x7f: {  	_ =	shalt  }
0x80: {  	_ =	shalt  }
0x81: {  	_ =	shalt  }
0x82: {  	_ =	shalt  }
0x83: {  	_ =	shalt  }
0x84: {  	_ =	shalt  }
0x85: {  	_ =	shalt  }
0x86: {  	_ =	shalt  }
0x87: {  	_ =	shalt  }
.Lfunc_end0:
.L_simem_size_0:
called_computation_lowered:
.L_overlay_start_0:
0x88: {  	s2 =	sld [smem:$0x3FD9]  }
0x89: {  	s3 =	sld [smem:$0x3FFE];
	_ =	sdelay $0x1  }
0x8a: {  	s1 =	srdreg.scid  }
0x8b: {  	s0 =	sand.u32 $0x1, s1  }
0x8c: {  	s14 =	sshll.u32 s0, $0xA;
	s2 =	sadd.s32 s3, s2  }
0x8d: {  	s2 =	sadd.s32 s2, s14  }
0x8e: {  	[smem:$0x3FC3] =	sst s2  }
0x8f: {  	_ = 	snop  }
0x90: {  	s2 =	sld [smem:$0x3FD0];
	_ =	sdelay $0x1  }
0x91: {  	s15 =	sld [smem:$0x3FC8]  }
0x92: {  	s5 =	simm.s32 $0xA;
	s6 =	simm.s32 $0x10;
	s4 =	sld [smem:$0x3FC7]  }
0x93: {  	[smem:s6], [sflag:s5] =	dma.local [hbm:s2], $0x1  }
0x94: {  	_ =	swait.eq [sflag:s5], $0x1  }
0x95: {  	[sflag:s5] =	ssyncset.done $0x0  }
0x96: {  	[sflag:s5] =	ssyncadd.s32 $0xFFFFFFFF  }
0x97: {  	s16 =	sld [smem:$0x11];
	(tm) =	ssettm $0x1  }
0x98: {  	s17 =	sld [smem:$0x3FFB];
	_ =	sdelay $0x3  }
0x99: {  	_ =	strace s17  }
0x9a: {  	s5 =	sld [smem:$0x3FFC];
	_ =	sdelay $0x3  }
0x9b: {  	_ =	strace s5  }
0x9c: {  	s5 =	sld [smem:$0x3FFD];
	_ =	sdelay $0x3  }
0x9d: {  	_ =	strace s5  }
0x9e: {  	_ =	strace $0x8FFFFFFF  }
0x9f: {  	s18 =	sld [smem:$0x3FDB];
	_ =	sdelay $0x1  }
0xa0: {  	s19 =	simm.s32 $_scs_section_size  }
0xa1: {  	s7 =	simm.s32 $_size__tile_overlayer_lowered;
	s8 =	simm.s32 $_tile_overlayer_lowered  }
0xa2: {  	s22 =	simm.s32 $0x1BFF;
	s21 =	sshll.u32 s8, $0x1;
	s5 =	sadd.s32 s19, s18  }
0xa3: {  	s9 =	simm.s32 $0x0;
	s20 =	sshll.u32 s7, $0x1;
	s7 =	sadd.s32 s21, s5  }
0xa4: {  	[timem:s9], [sflag:s22] =	dma.local [hbm:s7], s20  }
0xa5: {  	_ =	swait.ge [sflag:s22], s20  }
0xa6: {  	s6 =	ssub.s32 $0x0, s20;
	[sflag:s22] =	ssyncset.done $0x0  }
0xa7: {  	[sflag:s22] =	ssyncadd.s32 s6;
	_ =	sdelay $0x1  }
0xa8: {  	s23 =	simm.s32 $0x1B8B  }
0xa9: {  	_ =	swait.ge [sflag:s23], $0x1  }
0xaa: {  	[sflag:s23] =	ssyncset.done $0x0  }
0xab: {  	s25 =	simm.s32 $0x1B8E;
	s24 =	sld [smem:$0x3FFE];
	[sflag:s23] =	ssyncadd.s32 $0xFFFFFFFF  }
0xac: {  	s26 =	simm.s32 $execute0_lowered;
	[smem:$0x3FD2] =	sst s25  }
0xad: {  	s7 =	sshll.u32 s26, $0x1;
	_ =	strace $0x80000046;
	[dreg:$0x1] =	wrdreg $0xFFFFFFFF  }
0xae: {  	s28 =	simm.s32 $_size_execute0_lowered;
	s5 =	sadd.s32 s5, s7;
	[dreg:$0x0] =	wrdreg $0x0  }
0xaf: {  	s7 =	sshll.u32 s28, $0x1;
	[dreg:$0x2] =	wrdreg s5  }
0xb0: {  	[dreg:$0x3] =	wrdreg s7  }
0xb1: {  	[dreg:$0x4] =	wrdreg $0xC0  }
0xb2: {  	_ =	task [dreg:s9], $0x5FFFF  }
0xb3: {  	[dreg:$0x1] =	wrdreg $0xFFFFFFFF  }
0xb4: {  	[dreg:$0x0] =	wrdreg $0x60  }
0xb5: {  	[dreg:$0x2] =	wrdreg s24  }
0xb6: {  	[dreg:$0x3] =	wrdreg s15  }
0xb7: {  	[dreg:$0x4] =	wrdreg s4  }
0xb8: {  	[dreg:$0x5] =	wrdreg s16  }
0xb9: {  	[dreg:$0x6] =	wrdreg $0x0  }
0xba: {  	[dreg:$0x7] =	wrdreg $0x18700  }
0xbb: {  	[dreg:$0x8] =	wrdreg $0x30E00  }
0xbc: {  	[dreg:$0x9] =	wrdreg $0x9  }
0xbd: {  	_ =	task.clear_ibuf [dreg:s9], $0xAFFFF;
	_ =	strace $0x90000046  }
0xbe: {  	s29 =	simm.s32 $0x9;
	_ =	strace $0x80000048  }
0xbf: {  	_ =	swait.ge [sflag:s29], $0x1  }
0xc0: {  	[sflag:s29] =	ssyncadd.s32 $0xFFFFFFFF  }
0xc1: {  	_ =	strace $0x90000048  }
0xc2: {  	_ =	sfence  }
0xc3: {  	s30 =	sld [smem:$0x0];
	_ =	sdelay $0x2  }
0xc4: {  	s31 =	sshll.u32 s1, $0xD;
	s1 =	sshrl.u32 s1, $0x2  }
0xc5: {  	s3 =	sand.u32 $0x4000, s31;
	s1 =	sadd.s32 s1, s30  }
0xc6: {  	s0 =	sor.u32 s3, s0;
	s1 =	sshll.u32 s1, $0x11  }
0xc7: {  	s0 =	sor.u32 s1, s0  }
0xc8: {  	s0 =	sadd.s32 $0x8F2B, s0  }
0xc9: {  	[sflag:s0] =	ssyncadd.remote.s32 $0x1  }
0xca: {  	_ =	sfence.sel $0xFFFF  }
0xcb: {  	[dreg:$0x0] =	wrdreg $0xFFFFFFFF;
	(pc) =	sbr.abs _section_cstart, $3  }
0xcc: {  	[dreg:$0x1] =	wrdreg $0xFFFFFFFF  }
0xcd: {  	_ =	task.clear_ibuf [dreg:s9], $0x2FFFF;
	_ =	strace $0x9FFFFFFF  }
0xce: {  	(tm) =	ssettm $0x7FFFFFFF  }
0xcf: {  	_ =	shalt  }
tec
execute0_lowered:
.L_overlay_start_1:
0x0: {  	(tag) =	ssettag $0x1  }
0x1: {  	s3 =	rddreg [dreg:$0x0]  }
0x2: {  	s31 =	rddreg [dreg:$0x1]  }
0x3: {  	s4 =	rddreg [dreg:$0x2]  }
0x4: {  	s5 =	rddreg [dreg:$0x4]  }
0x5: {  	s6 =	rddreg [dreg:$0x5]  }
0x6: {  	s7 =	rddreg [dreg:$0x6]  }
0x7: {  	s0 =	srdreg.scid;
	s1 =	stileid.u32  }
0x8: {  	s8 =	simm.s32 $0x0;
	s0 =	sand.u32 $0x1, s0;
	s2 =	sshll.u32 s1, $0x1  }
0x9: {  	[smem:$0x7FF] =	sst s8;
	s26 =	sadd.s32 $0x6400, s3;
	s2 =	sor.u32 s0, s2  }
0xa: {  	_ =	strace $0x80000047;
	[dreg:$0x8] =	wrdreg s2;
	s2 =	smul.u32 $0x190, s2  }
0xb: {  	s3 =	sadd.s32 $0x3200, s3;
	s0 =	ssub.s32 $0x2, s0;
	[dreg:$0x9] =	wrdreg s26  }
0xc: {  	[dreg:$0xa] =	wrdreg s3;
	s29 =	sshrl.u32 s0, $0x1;
	s30 =	sadd.s32 s31, s2  }
0xd: {  	s0 =	ssub.s32 s0, s29;
	s2 =	sadd.s32 s4, s2;
	[dreg:$0xb] =	wrdreg s30  }
0xe: {  	p0 =	sne.s32 s1, $0x0;
	s0 =	smax.u32 s0, $0x1;
	[dreg:$0xc] =	wrdreg s2  }
0xf: {  	[dreg:$0xd] =	wrdreg s0;
	s0 =	sshrl.u32 @!p0 s5, $0x3  }
0x10: {  	s28 =	simm.s32 $0x2;
	[dreg:$0xe] =	wrdreg s0;
	s0 =	sshrl.u32 @!p0 s6, $0x3  }
0x11: {  	p1 =	sgt.u32 s1, $0x7;
	[dreg:$0xf] =	wrdreg s0;
	s0 =	sshrl.u32 @!p0 s7, $0x3  }
0x12: {  	s26 =	simm.s32 $0x1;
	s2 =	simm.s32 $0x0;
	[dreg:$0x10] =	wrdreg s0  }
.LBB2_1:
0x13: {  	[dreg:$0x11] =	wrdreg s2  }
0x14: {  	s1 =	rddreg [dreg:$0x9]  }
0x15: {  	s0 =	simm.s32 @!p0 $0x1C05;
	s2 =	rddreg [dreg:$0xe]  }
0x16: {  	[spmem:s2], [sflag:s0] =	dma.local @!p0 [hbm:s1], $0x30D4  }
0x17: {  	s1 =	simm.s32 @!p0 $0x5  }
0x18: {  	_ =	swait.ge @!p0 [sflag:s1], $0x30D4  }
0x19: {  	[sflag:s1] =	ssyncset.done @!p0 $0x0;
	s2 =	rddreg [dreg:$0xa]  }
0x1a: {  	s3 =	rddreg [dreg:$0xf];
	[sflag:s1] =	ssyncadd.s32 @!p0 $0xFFFFCF2C  }
0x1b: {  	[spmem:s3], [sflag:s0] =	dma.local @!p0 [hbm:s2], $0x30D4  }
0x1c: {  	_ =	swait.ge @!p0 [sflag:s1], $0x30D4  }
0x1d: {  	[sflag:s1] =	ssyncset.done @!p0 $0x0  }
0x1e: {  	s3 =	rddreg [dreg:$0x10];
	[sflag:s1] =	ssyncadd.s32 @!p0 $0xFFFFCF2C  }
0x1f: {  	s2 =	rddreg [dreg:$0x0]  }
0x20: {  	[spmem:s3], [sflag:s0] =	dma.local @!p0 [hbm:s2], $0x30D4  }
0x21: {  	_ =	swait.ge @!p0 [sflag:s1], $0x30D4  }
0x22: {  	[sflag:s1] =	ssyncset.done @!p0 $0x0  }
0x23: {  	[sflag:s1] =	ssyncadd.s32 @!p0 $0xFFFFCF2C  }
0x24: {  	s15 =	simm.s32 $0x0;
	[bflag:$0x0] =	sbarrier.arrive $0xFFFF  }
0x25: {  	s17 =	simm.s32 $0x4950;
	s18 =	simm.s32 $0x5;
	s16 =	rddreg [dreg:$0xb]  }
0x26: {  	[tilespmem:s17], [sflag:$0x5] =	stream.linear.gather [hbm4b:s16+s15], $0xC80, $0x38;
	[tilespmem:$0x17550] =	vst v63  }
0x27: {  	_ =	swait.ge [sflag:s18], $0xC80  }
0x28: {  	[sflag:s18] =	ssyncset.done $0x0  }
0x29: {  	s4 =	simm.s32 $0x55D0;
	s19 =	rddreg [dreg:$0xc];
	[sflag:s18] =	ssyncadd.s32 $0xFFFFF380  }
0x2a: {  	[tilespmem:s4], [sflag:$0x5] =	stream.linear.gather [hbm4b:s19+s15], $0xC80, $0x38;
	[tilespmem:$0x17550] =	vst v63  }
0x2b: {  	_ =	swait.ge [sflag:s18], $0xC80  }
0x2c: {  	[sflag:s18] =	ssyncset.done $0x0  }
0x2d: {  	[sflag:s18] =	ssyncadd.s32 $0xFFFFF380  }
0x2e: {  	s5 =	simm.s32 $0xC80;
	s21 =	simm.s32 $0x7B50;
	s20 =	rddreg [dreg:$0x4]  }
0x2f: {  	[tilespmem:s21], [sflag:$0x1] =	stream.indirect.gather [spmem:s20], $0x1, s17, s5, $0xb8;
	[tilespmem:$0x17550] =	vst v63  }
0x30: {  	s23 =	simm.s32 $0x87D0;
	s22 =	rddreg [dreg:$0x5]  }
0x31: {  	[tilespmem:s23], [sflag:$0x1] =	stream.indirect.gather [spmem:s22], $0x1, s17, s5, $0xb8;
	[tilespmem:$0x17550] =	vst v63  }
0x32: {  	s6 =	simm.s32 $0x9450;
	s24 =	rddreg [dreg:$0x6]  }
0x33: {  	[tilespmem:s6], [sflag:$0x1] =	stream.indirect.gather [spmem:s24], $0x1, s17, s5, $0xb8;
	[tilespmem:$0x17550] =	vst v63  }
0x34: {  	s25 =	simm.s32 $0xA0D0  }
0x35: {  	[tilespmem:s25], [sflag:$0x1] =	stream.indirect.gather [spmem:s20], $0x1, s4, s5, $0xb8;
	[tilespmem:$0x17550] =	vst v63  }
0x36: {  	s29 =	simm.s32 $0xAD50  }
0x37: {  	[tilespmem:s29], [sflag:$0x1] =	stream.indirect.gather [spmem:s22], $0x1, s4, s5, $0xb8;
	[tilespmem:$0x17550] =	vst v63  }
0x38: {  	s30 =	simm.s32 $0xB9D0;
	s10 =	simm.s32 $0x0  }
0x39: {  	[tilespmem:s30], [sflag:$0x1] =	stream.indirect.gather [spmem:s24], $0x1, s4, s5, $0xb8;
	[tilespmem:$0x17550] =	vst v63  }
.LBB2_2:
0x3a: {  	s0 =	sshll.u32 s10, $0x6;
	s1 =	rddreg [dreg:$0x8]  }
0x3b: {  	s11 =	sor.u32 s1, s0  }
0x3c: {  	s8 =	sor.u32 $0x20, s11  }
0x3d: {  	p2 =	sgt.u32 s8, $0x7CF  }
0x3e: {  	s0 =	smul.u32 @!p2 $0x190, s8;
	_ =	sdelay $0x1  }
0x3f: {  	s2 =	simm.s32 @!p2 $0x0;
	s3 =	simm.s32 @!p2 $0x6250;
	s1 =	sadd.s32 @!p2 s31, s0  }
0x40: {  	[tilespmem:s3], [sflag:$0x5] =	stream.linear.gather @!p2 [hbm4b:s1+s2], $0xC80, $0x38;
	[tilespmem:$0x17550] =	vst v63  }
0x41: {  	s1 =	simm.s32 @!p2 $0x5  }
0x42: {  	_ =	swait.ge @!p2 [sflag:s1], $0xC80  }
0x43: {  	[sflag:s1] =	ssyncset.done @!p2 $0x0  }
0x44: {  	[sflag:s1] =	ssyncadd.s32 @!p2 $0xFFFFF380  }
0x45: {  	s3 =	rddreg [dreg:$0x2]  }
0x46: {  	s0 =	sadd.s32 @!p2 s3, s0;
	s3 =	simm.s32 @!p2 $0x6ED0  }
0x47: {  	[tilespmem:s3], [sflag:$0x5] =	stream.linear.gather @!p2 [hbm4b:s0+s2], $0xC80, $0x38;
	[tilespmem:$0x17550] =	vst v63  }
0x48: {  	_ =	swait.ge @!p2 [sflag:s1], $0xC80  }
0x49: {  	[sflag:s1] =	ssyncset.done @!p2 $0x0  }
0x4a: {  	s29 =	simm.s32 $0xC80;
	[sflag:s1] =	ssyncadd.s32 @!p2 $0xFFFFF380  }
0x4b: {  	s4 =	simm.s32 $0x6250;
	s6 =	simm.s32 $0xC650;
	s25 =	rddreg [dreg:$0x4]  }
0x4c: {  	[tilespmem:s6], [sflag:$0x2] =	stream.indirect.gather [spmem:s25], $0x1, s4, s29, $0xb8;
	[tilespmem:$0x17550] =	vst v63  }
0x4d: {  	s9 =	simm.s32 $0xD2D0;
	s7 =	rddreg [dreg:$0x5]  }
0x4e: {  	[tilespmem:s9], [sflag:$0x2] =	stream.indirect.gather [spmem:s7], $0x1, s4, s29, $0xb8;
	[tilespmem:$0x17550] =	vst v63  }
0x4f: {  	s5 =	simm.s32 $0xDF50;
	s12 =	rddreg [dreg:$0x6]  }
0x50: {  	[tilespmem:s5], [sflag:$0x2] =	stream.indirect.gather [spmem:s12], $0x1, s4, s29, $0xb8;
	[tilespmem:$0x17550] =	vst v63  }
0x51: {  	s13 =	simm.s32 $0x6ED0;
	s14 =	simm.s32 $0xEBD0  }
0x52: {  	[tilespmem:s14], [sflag:$0x2] =	stream.indirect.gather [spmem:s25], $0x1, s13, s29, $0xb8;
	[tilespmem:$0x17550] =	vst v63  }
0x53: {  	s15 =	simm.s32 $0xF850  }
0x54: {  	[tilespmem:s15], [sflag:$0x2] =	stream.indirect.gather [spmem:s7], $0x1, s13, s29, $0xb8;
	[tilespmem:$0x17550] =	vst v63  }
0x55: {  	s16 =	simm.s32 $0x104D0  }
0x56: {  	[tilespmem:s16], [sflag:$0x2] =	stream.indirect.gather [spmem:s12], $0x1, s13, s29, $0xb8;
	[tilespmem:$0x17550] =	vst v63  }
0x57: {  	_ =	swait.ge [sflag:s26], $0xC80  }
0x58: {  	[sflag:s26] =	ssyncset.done $0x0  }
0x59: {  	[sflag:s26] =	ssyncadd.s32 $0xFFFFF380  }
0x5a: {  	_ =	swait.ge [sflag:s26], $0xC80  }
0x5b: {  	[sflag:s26] =	ssyncset.done $0x0  }
0x5c: {  	[sflag:s26] =	ssyncadd.s32 $0xFFFFF380  }
0x5d: {  	_ =	swait.ge [sflag:s26], $0xC80  }
0x5e: {  	[sflag:s26] =	ssyncset.done $0x0  }
0x5f: {  	[sflag:s26] =	ssyncadd.s32 $0xFFFFF380  }
0x60: {  	_ =	swait.ge [sflag:s26], $0xC80  }
0x61: {  	[sflag:s26] =	ssyncset.done $0x0  }
0x62: {  	[sflag:s26] =	ssyncadd.s32 $0xFFFFF380  }
0x63: {  	_ =	swait.ge [sflag:s26], $0xC80  }
0x64: {  	[sflag:s26] =	ssyncset.done $0x0  }
0x65: {  	[sflag:s26] =	ssyncadd.s32 $0xFFFFF380  }
0x66: {  	_ =	swait.ge [sflag:s26], $0xC80  }
0x67: {  	p3 =	seq.s32 s10, $0x0;
	[sflag:s26] =	ssyncset.done $0x0  }
0x68: {  	s0 =	simm.s32 @!p3 $0x3;
	[sflag:s26] =	ssyncadd.s32 $0xFFFFF380  }
0x69: {  	_ =	swait.ge @!p3 [sflag:s0], $0x3200  }
0x6a: {  	[sflag:s0] =	ssyncset.done @!p3 $0x0  }
0x6b: {  	s17 =	simm.s32 $0x0;
	[sflag:s0] =	ssyncadd.s32 @!p3 $0xFFFFCE00  }
0x6c: {  	v0 =	vld [tilespmem:s17+$0xB9F0]  }
0x6d: {  	v1 =	vld [tilespmem:s17+$0xB9D0]  }
0x6e: {  	v2 =	vld [tilespmem:s17+$0x9470]  }
0x6f: {  	v3 =	vld [tilespmem:s17+$0x9450]  }
0x70: {  	v4 =	vld [tilespmem:s17+$0xA0D0]  }
0x71: {  	v5 =	vld [tilespmem:s17+$0xA0F0]  }
0x72: {  	v6 =	vld [tilespmem:s17+$0xAD60]  }
0x73: {  	v7 =	vld [tilespmem:s17+$0xAD70]  }
0x74: {  	v8 =	vld [tilespmem:s17+$0xB9E0]  }
0x75: {  	v10 =	vld [tilespmem:s17+$0xAD50]  }
0x76: {  	v11 =	vld [tilespmem:s17+$0x9460]  }
0x77: {  	v12 =	vld [tilespmem:s17+$0x87D0]  }
0x78: {  	v13 =	vld [tilespmem:s17+$0xA100]  }
0x79: {  	v9 =	vld [tilespmem:s17+$0x87F0]  }
0x7a: {  	v15 =	vld [tilespmem:s17+$0x7B50]  }
0x7b: {  	v14 =	vld [tilespmem:s17+$0x7B70]  }
0x7c: {  	v19 =	vld [tilespmem:s17+$0xA0E0]  }
0x7d: {  	v17 =	vld [tilespmem:s17+$0x9480]  }
0x7e: {  	v20 =	vld [tilespmem:s17+$0xAD80]  }
0x7f: {  	v21 =	vld [tilespmem:s17+$0xBA00]  }
0x80: {  	v22 =	vld [tilespmem:s17+$0x8800]  }
0x81: {  	v23 =	vld [tilespmem:s17+$0x7B60]  }
0x82: {  	v24 =	vld [tilespmem:s17+$0x87E0]  }
0x83: {  	s18 =	simm.s32 $0x40;
	v25 =	vld [tilespmem:s17+$0x7B80]  }
0x84: {  	v26 =	vld [tilespmem:s18+$0xB9F0]  }
0x85: {  	v27 =	vld [tilespmem:s18+$0xA0D0]  }
0x86: {  	v28 =	vld [tilespmem:s18+$0xAD60]  }
0x87: {  	v29 =	vld [tilespmem:s18+$0x87D0]  }
0x88: {  	v30 =	vld [tilespmem:s18+$0x87F0]  }
0x89: {  	v34 =	vld [tilespmem:s18+$0x7B50];
	v7 =	vsub.f32 v9, v7;
	v5 =	vsub.f32 v14, v5  }
0x8a: {  	v35 =	vld [tilespmem:s18+$0x7B70];
	v0 =	vsub.f32 v2, v0;
	v1 =	vsub.f32 v3, v1  }
0x8b: {  	v2 =	vld [tilespmem:s18+$0xB9D0];
	v20 =	vsub.f32 v22, v20;
	v19 =	vsub.f32 v23, v19;
	v14 =	vmul.f32 $4.000000000e+01, v7  }
0x8c: {  	v3 =	vld [tilespmem:s18+$0x9450];
	v13 =	vsub.f32 v25, v13;
	v16 =	vmul.f32 $4.000000000e+01, v5;
	v9 =	vmul.f32 $4.000000000e+01, v0  }
0x8d: {  	v37 =	vld [tilespmem:s18+$0xA0E0];
	v0 =	vmul.f32 $4.000000000e+01, v1;
	v22 =	vmul.f32 $4.000000000e+01, v19  }
0x8e: {  	v7 =	vld [tilespmem:s18+$0x9470];
	v13 =	vmul.f32 $4.000000000e+01, v13;
	v20 =	vmul.f32 $4.000000000e+01, v20  }
0x8f: {  	v39 =	vld [tilespmem:s18+$0x9480];
	v1 =	vsub.f32 v12, v10;
	v5 =	vmul.f32 v14, v14;
	v18 =	vmul.f32 v16, v16  }
0x90: {  	v8 =	vsub.f32 v11, v8;
	v10 =	vld [tilespmem:s18+$0xA0F0];
	v11 =	vmul.f32 v9, v9;
	v31 =	vmul.f32 v13, v13  }
0x91: {  	v61 =	vld [tilespmem:s18+$0xAD80];
	v2 =	vsub.f32 v3, v2;
	v5 =	vadd.f32 v5, v18;
	v18 =	vmul.f32 $4.000000000e+01, v1  }
0x92: {  	v62 =	vld [tilespmem:s18+$0x7B80];
	v1 =	vsub.f32 v15, v4;
	v4 =	vsub.f32 v17, v21;
	v17 =	vmul.f32 $4.000000000e+01, v8  }
0x93: {  	v8 =	vmul.f32 v0, v0;
	v21 =	vld [tilespmem:s18+$0xAD50];
	v7 =	vsub.f32 v7, v26;
	v5 =	vadd.f32 v11, v5  }
0x94: {  	v15 =	vld [tilespmem:s18+$0xAD70];
	v12 =	vmul.f32 $4.000000000e+01, v4;
	v4 =	vsub.f32 v24, v6;
	v33 =	vmul.f32 $4.000000000e+01, v1  }
0x95: {  	v10 =	vsub.f32 v35, v10;
	v11 =	vld [tilespmem:s18+$0xB9E0];
	v1 =	vmul.f32 v20, v20;
	v36 =	vmul.f32 v18, v18  }
0x96: {  	v24 =	vld [tilespmem:s18+$0x9460];
	v41 =	vmul.f32 v17, v17;
	v6 =	vmax.f32 v5, $1.000000000e-30;
	v5 =	vmul.f32 $4.000000000e+01, v4  }
0x97: {  	v3 =	vld [tilespmem:s18+$0xBA00];
	v32 =	vmul.f32 v33, v33;
	v38 =	vmul.f32 v12, v12;
	v1 =	vadd.f32 v1, v31  }
0x98: {  	v19 =	vshra.s32 v6, $0x1;
	v25 =	vmul.f32 $5.000000000e-01, v6;
	v21 =	vsub.f32 v29, v21;
	v29 =	vld [tilespmem:s18+$0x87E0]  }
0x99: {  	v15 =	vsub.f32 v30, v15;
	v30 =	vmul.f32 $4.000000000e+01, v10;
	v4 =	vsub.s32 $0x5F3759DF, v19;
	v19 =	vld [tilespmem:s18+$0xA100]  }
0x9a: {  	v31 =	vadd.f32 v36, v32;
	v32 =	vmul.f32 $4.000000000e+01, v7;
	v7 =	vld [tilespmem:s18+$0x8800];
	v23 =	vmul.f32 v4, v25  }
0x9b: {  	v11 =	vsub.f32 v24, v11;
	v24 =	vld [tilespmem:s18+$0x7B60];
	v26 =	vmul.f32 $4.000000000e+01, v15;
	v15 =	vsub.f32 v34, v27  }
0x9c: {  	v40 =	vmul.f32 v5, v5;
	v23 =	vmul.f32 v4, v23  }
0x9d: {  	v3 =	vsub.f32 v39, v3;
	v44 =	vmul.f32 v32, v32;
	v48 =	vmul.f32 $4.000000000e+01, v15  }
0x9e: {  	s19 =	simm.s32 $0x80;
	v35 =	vmul.f32 $4.000000000e+01, v11;
	v10 =	vmul.f32 v26, v26;
	v23 =	vsub.f32 $1.500000000e+00, v23  }
0x9f: {  	s12 =	simm.s32 $0x0;
	v46 =	vld [tilespmem:s19+$0xA0D0];
	v7 =	vsub.f32 v7, v61;
	v19 =	vsub.f32 v62, v19;
	v52 =	vmul.f32 v48, v48  }
0xa0: {  	s23 =	simm.s32 $0x30;
	s20 =	sand.u32 $0x3E00, s12;
	v60 =	vld [tilespmem:s19+$0x7B50];
	v11 =	vsub.f32 v24, v37;
	v37 =	vmul.f32 $4.000000000e+01, v3;
	v3 =	vsub.f32 v29, v28  }
0xa1: {  	s3 =	sand.u32 $0x70, s23;
	s1 =	sadd.s32 $0x11150, s20;
	v42 =	vmul.f32 v4, v23;
	v23 =	vadd.f32 v38, v1;
	v1 =	vmul.f32 $4.000000000e+01, v2  }
0xa2: {  	s9 =	simm.s32 $0x20;
	s3 =	sadd.s32 s3, s1;
	v4 =	vadd.f32 v8, v31;
	v31 =	vmul.f32 $4.000000000e+01, v21;
	v21 =	vmul.f32 v30, v30  }
0xa3: {  	s24 =	simm.s32 $0x10;
	s9 =	sand.u32 $0x60, s9;
	s22 =	sand.u32 $0x40, s12;
	v58 =	vld [tilespmem:s19+$0xB9F0];
	[tilespmem:s3+$0x0] =	vst v13;
	v28 =	vmul.f32 $4.000000000e+01, v19;
	v38 =	vmul.f32 $4.000000000e+01, v7  }
0xa4: {  	s4 =	sand.u32 $0x50, s24;
	s25 =	sand.u32 $0x3, s12;
	s2 =	sadd.s32 s22, s1;
	v45 =	vld [tilespmem:s19+$0x9450];
	[tilespmem:s3+$0x80] =	vst v20;
	v36 =	vmul.f32 $4.000000000e+01, v11;
	v27 =	vmul.f32 $4.000000000e+01, v3  }
0xa5: {  	s4 =	sadd.s32 s4, s1;
	s1 =	sadd.s32 s9, s1;
	s3 =	sshll.u32 s25, $0x5;
	[tilespmem:s2+$0x0] =	vst v33;
	v33 =	vsub.f32 v60, v46;
	v29 =	vld [tilespmem:s19+$0x9470];
	v3 =	vmul.f32 v22, v22;
	v19 =	vmul.f32 v37, v37  }
0xa6: {  	s13 =	sand.u32 $0x7, s12;
	[tilespmem:s1+$0x0] =	vst v16;
	s3 =	sadd.s32 $0x0, s3;
	v24 =	vld [tilespmem:s19+$0xB9D0];
	v2 =	vmul.f32 v42, v25;
	v4 =	vmax.f32 v4, $1.000000000e-30;
	v63 =	vmul.f32 v1, v1  }
0xa7: {  	s29 =	sshll.u32 s13, $0x4;
	s13 =	simm.s32 $0x100;
	[tilespmem:s4+$0x0] =	vst v22;
	s20 =	sadd.s32 $0x20, s3;
	v10 =	vadd.f32 v10, v21;
	v11 =	vmul.f32 v38, v38;
	v22 =	vmax.f32 v23, $1.000000000e-30  }
0xa8: {  	s16 =	simm.s32 $0x70;
	s6 =	sand.u32 $0x3E00, s13;
	[tilespmem:s1+$0x80] =	vst v14;
	s3 =	sor.u32 $0x100, s20;
	v8 =	vmul.f32 $5.000000000e-01, v4;
	v43 =	vshra.s32 v4, $0x1;
	v21 =	vmul.f32 v27, v27  }
0xa9: {  	v49 =	vld [tilespmem:s19+$0xAD70];
	s17 =	sand.u32 $0x70, s16;
	[tilespmem:s3+$0x11150] =	vst v9;
	s3 =	sadd.s32 $0x11150, s6;
	v3 =	vadd.f32 v40, v3;
	v2 =	vmul.f32 v2, v42;
	v7 =	vadd.f32 v44, v10  }
0xaa: {  	v53 =	vld [tilespmem:s19+$0xAD50];
	[tilespmem:s4+$0x80] =	vst v5;
	s4 =	sadd.s32 s17, s3;
	v43 =	vsub.s32 $0x5F3759DF, v43;
	v10 =	vmul.f32 v28, v28;
	v29 =	vsub.f32 v29, v58  }
0xab: {  	v61 =	vld [tilespmem:s19+$0x7B70];
	[tilespmem:s4+$0x0] =	vst v28;
	v59 =	vsub.f32 v45, v24;
	v28 =	vmul.f32 $5.000000000e-01, v22;
	v51 =	vmul.f32 v43, v8  }
0xac: {  	v40 =	vld [tilespmem:s19+$0x87D0];
	v41 =	vadd.f32 v41, v3;
	v2 =	vsub.f32 $1.500000000e+00, v2;
	v7 =	vmax.f32 v7, $1.000000000e-30  }
0xad: {  	v44 =	vld [tilespmem:s19+$0xA0F0];
	v11 =	vadd.f32 v11, v10;
	v3 =	vmul.f32 $4.000000000e+01, v29;
	v15 =	vshra.s32 v7, $0x1  }
0xae: {  	v50 =	vld [tilespmem:s19+$0xB9E0];
	v10 =	vmul.f32 $5.000000000e-01, v7;
	v51 =	vmul.f32 v43, v51;
	v13 =	vmax.f32 v41, $1.000000000e-30  }
0xaf: {  	v56 =	vld [tilespmem:s19+$0x87F0];
	v15 =	vsub.s32 $0x5F3759DF, v15;
	v11 =	vadd.f32 v19, v11;
	v19 =	vmul.f32 v31, v31  }
0xb0: {  	v57 =	vld [tilespmem:s19+$0x7B60];
	v24 =	vmul.f32 v2, v42;
	v2 =	vmul.f32 $4.000000000e+01, v59;
	v62 =	vshra.s32 v13, $0x1  }
0xb1: {  	v39 =	vld [tilespmem:s19+$0xA100];
	v53 =	vsub.f32 v40, v53;
	v40 =	vmul.f32 v3, v3;
	v54 =	vmul.f32 v15, v10  }
0xb2: {  	v42 =	vld [tilespmem:s19+$0xA0E0];
	v41 =	vsub.f32 v61, v44;
	v52 =	vadd.f32 v19, v52;
	v19 =	vmul.f32 v35, v35  }
0xb3: {  	v51 =	vsub.f32 $1.500000000e+00, v51;
	v61 =	vld [tilespmem:s19+$0x7B80];
	v16 =	vmul.f32 v24, v25;
	v14 =	vmul.f32 $4.000000000e+01, v53  }
0xb4: {  	v55 =	vld [tilespmem:s19+$0x9460];
	[tilespmem:s2+$0x80] =	vst v18;
	s2 =	sadd.s32 $0x0, s29;
	v25 =	vsub.f32 v56, v49;
	v54 =	vmul.f32 v15, v54;
	v23 =	vmul.f32 $4.000000000e+01, v41  }
0xb5: {  	v47 =	vld [tilespmem:s19+$0xAD60];
	s15 =	sadd.s32 $0x30, s2;
	v34 =	vadd.f32 v63, v52;
	v52 =	vsub.s32 $0x5F3759DF, v62;
	v58 =	vmul.f32 v16, v24  }
0xb6: {  	s7 =	simm.s32 $0x40;
	s14 =	sadd.s32 $0x10, s2;
	s2 =	sor.u32 $0x100, s15;
	v49 =	vld [tilespmem:s19+$0xAD80];
	v16 =	vmul.f32 $4.000000000e+01, v25;
	v25 =	vmul.f32 v2, v2;
	v29 =	vsub.f32 $1.500000000e+00, v54  }
0xb7: {  	s9 =	sand.u32 $0x40, s7;
	s5 =	sor.u32 $0x100, s14;
	[tilespmem:s2+$0x11150] =	vst v12;
	v62 =	vld [tilespmem:s19+$0x8800];
	v12 =	vsub.f32 v57, v42;
	v5 =	vmax.f32 v34, $1.000000000e-30;
	v34 =	vsub.f32 $1.500000000e+00, v58  }
0xb8: {  	s1 =	sadd.s32 s9, s3;
	[tilespmem:s5+$0x11150] =	vst v17;
	v59 =	vld [tilespmem:s19+$0x87E0];
	v56 =	vsub.f32 v61, v39;
	v39 =	vmul.f32 v36, v36;
	v20 =	vmul.f32 v15, v29  }
0xb9: {  	s18 =	simm.s32 $0x50;
	[tilespmem:s1+$0x0] =	vst v48;
	v54 =	vld [tilespmem:s19+$0x9480];
	v15 =	vmul.f32 $5.000000000e-01, v13;
	v29 =	vsub.f32 v55, v50;
	v18 =	vmul.f32 $5.000000000e-01, v5  }
0xba: {  	s16 =	simm.s32 $0x4;
	s2 =	sand.u32 $0x50, s18;
	[tilespmem:s1+$0x80] =	vst v31;
	v58 =	vshra.s32 v22, $0x1;
	v55 =	vld [tilespmem:s19+$0xBA00];
	s19 =	simm.s32 $0x60;
	v12 =	vmul.f32 $4.000000000e+01, v12;
	v31 =	vmul.f32 $4.000000000e+01, v56  }
0xbb: {  	s16 =	sand.u32 $0x7, s16;
	s2 =	sadd.s32 s2, s3;
	[tilespmem:s4+$0x80] =	vst v38;
	v60 =	vshra.s32 v5, $0x1;
	s9 =	sand.u32 $0x60, s19;
	v63 =	vmul.f32 v20, v10;
	v9 =	vmul.f32 $4.000000000e+01, v29  }
0xbc: {  	s23 =	sshll.u32 s16, $0x4;
	[tilespmem:s2+$0x80] =	vst v27;
	v29 =	vmul.f32 v43, v51;
	v57 =	vsub.f32 v62, v49;
	s3 =	sadd.s32 s9, s3;
	v43 =	vsub.s32 $0x5F3759DF, v58  }
0xbd: {  	s1 =	sadd.s32 $0x100, s23;
	[tilespmem:s3+$0x80] =	vst v26;
	v26 =	vsub.s32 $0x5F3759DF, v60;
	v60 =	vmul.f32 v31, v31;
	v61 =	vmul.f32 v43, v28  }
0xbe: {  	s0 =	simm.s32 $0x2;
	s18 =	sadd.s32 $0x10, s1;
	[tilespmem:s2+$0x0] =	vst v36;
	v50 =	vmul.f32 v63, v20;
	v63 =	vmul.f32 v52, v15  }
0xbf: {  	s22 =	sand.u32 $0x3, s0;
	s25 =	sor.u32 $0x100, s18;
	[tilespmem:s3+$0x0] =	vst v30;
	v42 =	vmul.f32 v29, v8;
	v30 =	vmul.f32 $4.000000000e+01, v57  }
0xc0: {  	s4 =	sshll.u32 s22, $0x5;
	[tilespmem:s25+$0x11150] =	vst v35;
	v44 =	vmul.f32 v26, v18;
	v35 =	vmul.f32 v9, v9;
	v17 =	vsub.f32 v54, v55  }
0xc1: {  	s4 =	sadd.s32 $0x100, s4;
	v54 =	vmul.f32 v16, v16;
	v55 =	vsub.f32 v59, v47;
	v59 =	vmul.f32 v23, v23  }
0xc2: {  	s21 =	smov.u32 s31;
	s19 =	sadd.s32 $0x20, s4;
	v53 =	vmul.f32 v52, v63;
	v62 =	vmul.f32 v30, v30  }
0xc3: {  	p4 =	por $0x0, $0x0;
	s17 =	sadd.s32 $0x30, s1;
	s24 =	sor.u32 $0x100, s19;
	v63 =	vmul.f32 v43, v61;
	v17 =	vmul.f32 $4.000000000e+01, v17  }
0xc4: {  	s30 =	simm.s32 $0x8;
	s31 =	simm.s32 $0x80;
	s29 =	sor.u32 $0x100, s17;
	[tilespmem:s24+$0x11150] =	vst v32;
	v32 =	vsub.f32 $1.500000000e+00, v50;
	v27 =	vmul.f32 $4.000000000e+01, v55;
	v48 =	vsub.f32 $1.500000000e+00, v53  }
0xc5: {  	s16 =	simm.s32 $0x200;
	s23 =	simm.s32 $0x300;
	s2 =	simm.s32 $0x8;
	[tilespmem:s29+$0x11150] =	vst v37;
	v45 =	vadd.f32 v54, v59;
	v37 =	vadd.f32 v62, v60;
	v41 =	vmul.f32 v17, v17  }
0xc6: {  	s25 =	simm.s32 $0x90;
	s3 =	sand.u32 $0x40, s31;
	s24 =	sand.u32 $0x3E00, s16;
	v46 =	vsub.f32 $1.500000000e+00, v63;
	v36 =	vmul.f32 v27, v27;
	v38 =	vmul.f32 v52, v48  }
.LBB2_3:
0xc7: {  	s1 =	sshra.s32 s23, $0x2;
	s2 =	sadd.s32 $0x4, s2;
	v33 =	vmul.f32 $4.000000000e+01, v33;
	v40 =	vadd.f32 v40, v45;
	s4 =	sadd.s32 $0x30, s31;
	v42 =	vmul.f32 v42, v29  }
0xc8: {  	s9 =	sand.u32 $0x7, s30;
	v45 =	vld [tilespmem:s1+$0xB9F0];
	p5 =	slt.u32 s2, $0xC4;
	v37 =	vadd.f32 v41, v37;
	s4 =	sand.u32 $0x70, s4;
	v41 =	vmul.f32 v26, v44;
	v43 =	vmul.f32 v43, v46  }
0xc9: {  	s29 =	sadd.s32 $0x11150, s24;
	s22 =	sand.u32 $0x50, s25;
	v24 =	vmul.f32 v34, v24;
	s9 =	sshll.u32 s9, $0x4;
	v44 =	vld [tilespmem:s1+$0xB9D0];
	v46 =	vmul.f32 v33, v33;
	v40 =	vmax.f32 v40, $1.000000000e-30  }
0xca: {  	s6 =	sadd.s32 $0x20, s31;
	s5 =	sadd.s32 s3, s29;
	s3 =	sadd.s32 s9, s16;
	v34 =	vld [tilespmem:s1+$0x9470];
	v47 =	vshra.s32 v40, $0x1;
	v48 =	vmul.f32 $5.000000000e-01, v40;
	v49 =	vmul.f32 v43, v28  }
0xcb: {  	v51 =	vmul.f32 v14, v14;
	s7 =	sadd.s32 s4, s29;
	v42 =	vsub.f32 $1.500000000e+00, v42;
	s24 =	sadd.s32 $0x10, s3;
	s25 =	sadd.s32 $0x30, s3;
	v50 =	vld [tilespmem:s1+$0x9450];
	[tilespmem:s5+$0x0] =	vst v33;
	v33 =	vsub.s32 $0x5F3759DF, v47  }
0xcc: {  	s9 =	sadd.s32 s22, s29;
	s4 =	sor.u32 $0x100, s24;
	s3 =	sor.u32 $0x100, s25;
	v47 =	vld [tilespmem:s1+$0xA0D0];
	v52 =	vmul.f32 v33, v48;
	[tilespmem:s7+$0x0] =	vst v31;
	v31 =	vsub.f32 $1.500000000e+00, v41;
	v41 =	vmul.f32 v49, v43  }
0xcd: {  	v21 =	vadd.f32 v21, v39;
	s0 =	sadd.s32 $0x2, s0;
	s6 =	sand.u32 $0x60, s6;
	v24 =	vmul.f32 v24, v6;
	v29 =	vmul.f32 v42, v29;
	v49 =	vld [tilespmem:s1+$0xA0F0];
	[tilespmem:s7+$0x80] =	vst v30  }
0xce: {  	s20 =	sor.u32 $0x180, s20;
	s6 =	sadd.s32 s6, s29;
	v6 =	vmovc v7;
	v39 =	vadd.f32 v51, v46;
	s7 =	sand.u32 $0x3, s0;
	v30 =	vld [tilespmem:s1+$0xAD60];
	[tilespmem:s9+$0x80] =	vst v27;
	v27 =	vmul.f32 v33, v52;
	v41 =	vsub.f32 $1.500000000e+00, v41  }
0xcf: {  	s7 =	sshll.u32 s7, $0x5;
	v52 =	vmul.f32 v38, v15;
	v42 =	vld [tilespmem:s1+$0xAD70];
	v51 =	vsub.f32 v34, v45;
	v34 =	vmul.f32 v29, v8;
	[tilespmem:s20+$0x11150] =	vst v24;
	s20 =	smov.u32 s19  }
0xd0: {  	s7 =	sadd.s32 s16, s7;
	v44 =	vsub.f32 v50, v44;
	v45 =	vld [tilespmem:s1+$0xB9E0];
	[tilespmem:s5+$0x80] =	vst v14;
	v14 =	vadd.f32 v19, v21;
	v41 =	vmul.f32 v41, v43  }
0xd1: {  	v7 =	vmovc v40;
	v8 =	vmovc v18;
	v27 =	vsub.f32 $1.500000000e+00, v27;
	s19 =	sadd.s32 $0x20, s7;
	v43 =	vld [tilespmem:s1+$0xAD50];
	v46 =	vmul.f32 $4.000000000e+01, v51;
	[tilespmem:s6+$0x0] =	vst v23;
	v51 =	vmul.f32 v52, v38  }
0xd2: {  	v24 =	vmul.f32 v32, v20;
	v21 =	vmovc v36;
	s5 =	sor.u32 $0x100, s19;
	v18 =	vld [tilespmem:s1+$0x9460];
	[tilespmem:s6+$0x80] =	vst v16;
	v50 =	vmax.f32 v14, $1.000000000e-30;
	v14 =	vmul.f32 v41, v28  }
0xd3: {  	v19 =	vmovc v35;
	v36 =	vmul.f32 $4.000000000e+01, v44;
	v16 =	vld [tilespmem:s1+$0x87D0];
	[tilespmem:s5+$0x11150] =	vst v3;
	v23 =	vshra.s32 v50, $0x1;
	v28 =	vsub.f32 $1.500000000e+00, v51;
	v3 =	vmovc v46  }
0xd4: {  	v25 =	vadd.f32 v25, v39;
	v20 =	vmul.f32 v33, v27;
	v27 =	vmul.f32 v34, v29;
	v44 =	vld [tilespmem:s1+$0xA100];
	[tilespmem:s9+$0x0] =	vst v12  }
0xd5: {  	v35 =	vsub.s32 $0x5F3759DF, v23;
	v32 =	vld [tilespmem:s1+$0x87F0];
	[tilespmem:s4+$0x11150] =	vst v9;
	v9 =	vmul.f32 $5.000000000e-01, v50;
	v23 =	vmul.f32 v28, v38  }
0xd6: {  	v14 =	vmul.f32 v14, v41;
	v38 =	vmax.f32 v25, $1.000000000e-30;
	v25 =	vmul.f32 v20, v48;
	v28 =	vld [tilespmem:s1+$0x7B50];
	[tilespmem:s3+$0x11150] =	vst v17  }
0xd7: {  	v39 =	vmul.f32 v24, v10;
	v10 =	vmovc v48;
	v27 =	vsub.f32 $1.500000000e+00, v27;
	v17 =	vsub.f32 v18, v45;
	v34 =	vld [tilespmem:s1+$0x7B70]  }
0xd8: {  	v18 =	vmul.f32 $5.000000000e-01, v38;
	v16 =	vsub.f32 v16, v43;
	v40 =	vld [tilespmem:s1+$0xA0E0];
	v43 =	vmul.f32 v23, v15;
	v15 =	vmovc v9  }
0xd9: {  	v48 =	vshra.s32 v38, $0x1;
	v51 =	vmul.f32 v25, v20;
	v25 =	vsub.f32 $1.500000000e+00, v14;
	v45 =	vld [tilespmem:s1+$0x9480]  }
0xda: {  	v27 =	vmul.f32 v27, v29;
	v14 =	vmul.f32 $4.000000000e+01, v16;
	v16 =	vsub.f32 v32, v42;
	v42 =	vld [tilespmem:s1+$0xAD80]  }
0xdb: {  	v29 =	vmul.f32 v39, v24;
	v32 =	vmul.f32 v43, v23;
	v33 =	vsub.f32 v28, v47;
	v28 =	vld [tilespmem:s1+$0xBA00]  }
0xdc: {  	v9 =	vmul.f32 $4.000000000e+01, v17;
	v41 =	vmul.f32 v25, v41;
	v17 =	vsub.f32 v34, v49;
	v39 =	vld [tilespmem:s1+$0x8800]  }
0xdd: {  	s3 =	simm.s32 $0x1;
	v16 =	vmul.f32 $4.000000000e+01, v16;
	v34 =	vsub.f32 $1.500000000e+00, v29;
	v47 =	vsub.f32 $1.500000000e+00, v32;
	v43 =	vld [tilespmem:s1+$0x7B60]  }
0xde: {  	v53 =	vmax.f32 v11, $1.000000000e-30;
	v11 =	vmovc v37;
	s3 =	simm.s32 @!p4 $0x0;
	v25 =	vmul.f32 v36, v36;
	v52 =	vmul.f32 v35, v15;
	v49 =	vld [tilespmem:s1+$0x87E0]  }
0xdf: {  	v32 =	vsub.f32 $1.500000000e+00, v51;
	v29 =	vmul.f32 v26, v31;
	v26 =	vmul.f32 v47, v23;
	v37 =	vld [tilespmem:s1+$0x7B80];
	s1 =	sshll.u32 s3, $0x6  }
0xe0: {  	v23 =	vmul.f32 $4.000000000e+01, v17;
	v17 =	vsub.f32 v45, v28;
	v45 =	vmul.f32 v35, v52;
	s1 =	sadd.s32 s1, s12;
	s12 =	smov.u32 s13;
	s13 =	smov.u32 s16  }
0xe1: {  	v27 =	vmul.f32 v27, v4;
	v4 =	vmovc v5;
	v47 =	vmul.f32 v16, v16;
	s16 =	smov.u32 s23;
	v39 =	vsub.f32 v39, v42;
	s3 =	sor.u32 $0x100, s1  }
0xe2: {  	v28 =	vmul.f32 $5.000000000e-01, v53;
	s1 =	sor.u32 $0x180, s1;
	v43 =	vsub.f32 v43, v40;
	v17 =	vmul.f32 $4.000000000e+01, v17;
	[tilespmem:s3+$0x11150] =	vst v0;
	v0 =	vmovc v1;
	v1 =	vmovc v2  }
0xe3: {  	v40 =	vmul.f32 v46, v3;
	v46 =	vmul.f32 v41, v22;
	v30 =	vsub.f32 v49, v30;
	[tilespmem:s1+$0x11150] =	vst v27  }
0xe4: {  	s3 =	sor.u32 $0x180, s15;
	v2 =	vmovc v36;
	s1 =	sor.u32 $0x180, s14;
	s14 =	smov.u32 s18;
	v41 =	vmul.f32 $4.000000000e+01, v43;
	v31 =	vsub.f32 v37, v44;
	v37 =	vmul.f32 v26, v13;
	v13 =	vmovc v50  }
0xe5: {  	v5 =	vmovc v38;
	v42 =	vmul.f32 v29, v8;
	v36 =	vshra.s32 v53, $0x1;
	v22 =	vmovc v53;
	s15 =	smov.u32 s17;
	s17 =	smov.u32 s25;
	s18 =	smov.u32 s24;
	v27 =	vmul.f32 $4.000000000e+01, v30;
	[tilespmem:s3+$0x11150] =	vst v46  }
0xe6: {  	p4 =	por !p4, !p4;
	v38 =	vmul.f32 v23, v23;
	v26 =	vsub.s32 $0x5F3759DF, v48;
	v31 =	vmul.f32 $4.000000000e+01, v31;
	[tilespmem:s1+$0x11150] =	vst v37  }
0xe7: {  	v43 =	vsub.s32 $0x5F3759DF, v36;
	v30 =	vmul.f32 $4.000000000e+01, v39;
	v39 =	vmul.f32 v12, v12;
	v12 =	vmovc v41  }
.Ltmp0:
0xe8: {  	v36 =	vmul.f32 v43, v28;
	v37 =	vmul.f32 v31, v31;
	(pc) =	sbr.rel @p5 .LBB2_3-.Ltmp0, $4  }
0xe9: {  	v44 =	vmul.f32 v26, v18;
	v46 =	vsub.f32 $1.500000000e+00, v45;
	v41 =	vmul.f32 v17, v17  }
0xea: {  	v45 =	vadd.f32 v47, v38;
	v47 =	vmul.f32 v30, v30;
	v48 =	vmul.f32 v43, v36  }
0xeb: {  	s30 =	sadd.s32 $0x4, s30;
	s31 =	sadd.s32 $0x40, s31;
	s24 =	sand.u32 $0x3E00, s23;
	v36 =	vmul.f32 v27, v27;
	v38 =	vmul.f32 v35, v46  }
0xec: {  	s25 =	sadd.s32 $0x10, s31;
	s23 =	sadd.s32 $0x100, s23;
	s3 =	sand.u32 $0x40, s31;
	v35 =	vmul.f32 v9, v9;
	v46 =	vsub.f32 $1.500000000e+00, v48;
	v37 =	vadd.f32 v47, v37  }
0xed: {  	v47 =	vmul.f32 $4.000000000e+01, v33;
	v55 =	vmul.f32 v42, v29  }
0xee: {  	v57 =	vmul.f32 v26, v44;
	v24 =	vmul.f32 v34, v24  }
0xef: {  	v54 =	vadd.f32 v40, v45;
	v48 =	vmul.f32 v14, v14;
	v61 =	vmul.f32 v38, v15  }
0xf0: {  	v21 =	vadd.f32 v21, v39;
	v56 =	vmul.f32 v43, v46;
	v58 =	vmul.f32 v47, v47  }
0xf1: {  	v33 =	vmax.f32 v54, $1.000000000e-30;
	v40 =	vsub.f32 $1.500000000e+00, v55;
	v43 =	vsub.f32 $1.500000000e+00, v57  }
0xf2: {  	v24 =	vmul.f32 v24, v6;
	v19 =	vadd.f32 v19, v21;
	v39 =	vmul.f32 v61, v38  }
0xf3: {  	v55 =	vmul.f32 v12, v12;
	v59 =	vmul.f32 v56, v28;
	v60 =	vshra.s32 v33, $0x1  }
0xf4: {  	v46 =	vmul.f32 $5.000000000e-01, v33;
	v45 =	vsub.s32 $0x5F3759DF, v60;
	v29 =	vmul.f32 v40, v29  }
0xf5: {  	v21 =	vadd.f32 v48, v58;
	v26 =	vmul.f32 v26, v43;
	v34 =	vmul.f32 v59, v56  }
0xf6: {  	v49 =	vmul.f32 v45, v46;
	v40 =	vmul.f32 v29, v8;
	v8 =	vmax.f32 v19, $1.000000000e-30  }
0xf7: {  	v19 =	vmul.f32 v32, v20;
	v21 =	vadd.f32 v25, v21;
	v34 =	vsub.f32 $1.500000000e+00, v34  }
0xf8: {  	v6 =	vmul.f32 v45, v49;
	v63 =	vshra.s32 v8, $0x1;
	v62 =	vmul.f32 v40, v29  }
0xf9: {  	v40 =	vmul.f32 $5.000000000e-01, v8;
	v48 =	vmul.f32 v19, v10;
	v10 =	vmax.f32 v11, $1.000000000e-30  }
0xfa: {  	v34 =	vmul.f32 v34, v56;
	v6 =	vsub.f32 $1.500000000e+00, v6;
	v49 =	vshra.s32 v10, $0x1  }
0xfb: {  	v42 =	vmul.f32 $5.000000000e-01, v10;
	v32 =	vsub.f32 $1.500000000e+00, v62;
	v44 =	vsub.s32 $0x5F3759DF, v49  }
0xfc: {  	v51 =	vmul.f32 v48, v19;
	v20 =	vmul.f32 v34, v28;
	v28 =	vsub.f32 $1.500000000e+00, v39  }
0xfd: {  	v25 =	vmul.f32 v45, v6;
	v6 =	vmax.f32 v21, $1.000000000e-30;
	v50 =	vmul.f32 v44, v42  }
0xfe: {  	v39 =	vsub.s32 $0x5F3759DF, v63;
	v11 =	vmul.f32 $5.000000000e-01, v6;
	v29 =	vmul.f32 v32, v29  }
0xff: {  	v52 =	vmul.f32 v39, v40;
	v28 =	vmul.f32 v28, v38  }
0x100: {  	v37 =	vadd.f32 v41, v37;
	v21 =	vmul.f32 v25, v46;
	v20 =	vmul.f32 v20, v34  }
0x101: {  	v32 =	vsub.f32 $1.500000000e+00, v51;
	v45 =	vmul.f32 v44, v50;
	v29 =	vmul.f32 v29, v4  }
0x102: {  	v54 =	vshra.s32 v6, $0x1;
	v4 =	vmul.f32 v26, v18;
	v15 =	vmul.f32 v28, v15  }
0x103: {  	v19 =	vmul.f32 v32, v19;
	v21 =	vmul.f32 v21, v25;
	v20 =	vsub.f32 $1.500000000e+00, v20  }
0x104: {  	v53 =	vsub.f32 $1.500000000e+00, v45;
	v4 =	vmul.f32 v4, v26;
	v15 =	vmul.f32 v15, v28  }
0x105: {  	v19 =	vmul.f32 v19, v7;
	v7 =	vmax.f32 v37, $1.000000000e-30;
	v20 =	vmul.f32 v20, v34  }
0x106: {  	v34 =	vadd.f32 v36, v55;
	v61 =	vmul.f32 $5.000000000e-01, v7;
	v15 =	vsub.f32 $1.500000000e+00, v15  }
0x107: {  	v4 =	vsub.f32 $1.500000000e+00, v4;
	v20 =	vmul.f32 v20, v22;
	v22 =	vmul.f32 v44, v53  }
0x108: {  	v37 =	vshra.s32 v7, $0x1;
	v15 =	vmul.f32 v15, v28;
	v28 =	vmul.f32 v39, v52  }
0x109: {  	v37 =	vsub.s32 $0x5F3759DF, v37;
	v26 =	vmul.f32 v4, v26;
	v4 =	vadd.f32 v35, v34  }
0x10a: {  	v56 =	vmul.f32 v22, v42;
	v13 =	vmul.f32 v15, v13;
	v15 =	vsub.f32 $1.500000000e+00, v28  }
0x10b: {  	v21 =	vsub.f32 $1.500000000e+00, v21;
	v44 =	vmul.f32 v37, v61;
	v4 =	vmax.f32 v4, $1.000000000e-30  }
0x10c: {  	v28 =	vsub.s32 $0x5F3759DF, v54;
	v58 =	vmul.f32 v56, v22;
	v15 =	vmul.f32 v39, v15  }
0x10d: {  	v62 =	vshra.s32 v4, $0x1;
	v63 =	vmul.f32 $5.000000000e-01, v4;
	v57 =	vmul.f32 v28, v11  }
0x10e: {  	s1 =	sadd.s32 $0x30, s31;
	v21 =	vmul.f32 v21, v25;
	v38 =	vsub.s32 $0x5F3759DF, v62;
	v60 =	vmul.f32 v15, v40  }
0x10f: {  	s2 =	sadd.s32 $0x11150, s24;
	s1 =	sand.u32 $0x70, s1;
	v32 =	vsub.f32 $1.500000000e+00, v58;
	v45 =	vmul.f32 v38, v63;
	v59 =	vmul.f32 v28, v57  }
0x110: {  	s1 =	sadd.s32 s1, s2;
	v18 =	vmul.f32 v26, v18;
	v34 =	vmul.f32 v60, v15  }
0x111: {  	s5 =	sor.u32 $0x180, s20;
	[tilespmem:s1+$0x0] =	vst v31;
	v22 =	vmul.f32 v32, v22;
	v32 =	vmul.f32 v38, v45;
	v31 =	vsub.f32 $1.500000000e+00, v59  }
0x112: {  	[tilespmem:s5+$0x11150] =	vst v24;
	v48 =	vmul.f32 v37, v44;
	v24 =	vmul.f32 v21, v46;
	v25 =	vsub.f32 $1.500000000e+00, v34  }
0x113: {  	s4 =	sand.u32 $0x50, s25;
	s3 =	sadd.s32 s3, s2;
	[tilespmem:s1+$0x80] =	vst v30;
	v18 =	vmul.f32 v18, v26;
	v30 =	vsub.f32 $1.500000000e+00, v32;
	v28 =	vmul.f32 v28, v31  }
0x114: {  	s0 =	sadd.s32 $0x2, s0;
	s25 =	sadd.s32 $0x20, s31;
	s29 =	sand.u32 $0x7, s30;
	[tilespmem:s3+$0x0] =	vst v47;
	v49 =	vmul.f32 v22, v42;
	v15 =	vmul.f32 v25, v15;
	v25 =	vsub.f32 $1.500000000e+00, v48  }
0x115: {  	s4 =	sadd.s32 s4, s2;
	s0 =	sand.u32 $0x3, s0;
	[tilespmem:s3+$0x80] =	vst v14;
	s1 =	sand.u32 $0x60, s25;
	v30 =	vmul.f32 v38, v30;
	v14 =	vmul.f32 v28, v11  }
0x116: {  	[tilespmem:s4+$0x80] =	vst v27;
	s0 =	sshll.u32 s0, $0x5;
	s2 =	sadd.s32 s1, s2;
	s5 =	sshll.u32 s29, $0x4;
	v27 =	vmul.f32 v49, v22;
	v25 =	vmul.f32 v37, v25  }
0x117: {  	s0 =	sadd.s32 s16, s0;
	s3 =	sadd.s32 s5, s16;
	[tilespmem:s2+$0x80] =	vst v16;
	s5 =	simm.s32 $0x1;
	v16 =	vsub.f32 $1.500000000e+00, v18;
	v18 =	vmul.f32 v30, v63;
	v14 =	vmul.f32 v14, v28  }
0x118: {  	s1 =	sadd.s32 $0x20, s0;
	[tilespmem:s2+$0x0] =	vst v23;
	s5 =	simm.s32 @!p4 $0x0;
	v23 =	vmul.f32 v15, v40;
	v31 =	vmul.f32 v25, v61  }
0x119: {  	[tilespmem:s4+$0x0] =	vst v12;
	s6 =	sor.u32 $0x100, s1;
	s0 =	sadd.s32 $0x10, s3;
	s9 =	sshll.u32 s5, $0x6;
	v12 =	vmul.f32 v16, v26;
	v16 =	vmul.f32 v18, v30;
	v14 =	vsub.f32 $1.500000000e+00, v14  }
0x11a: {  	[tilespmem:s6+$0x11150] =	vst v3;
	s7 =	sor.u32 $0x100, s0;
	s22 =	sadd.s32 s9, s12;
	v3 =	vsub.f32 $1.500000000e+00, v27;
	v23 =	vmul.f32 v23, v15;
	v27 =	vmul.f32 v31, v25  }
0x11b: {  	s2 =	sadd.s32 $0x30, s3;
	[tilespmem:s7+$0x11150] =	vst v9;
	s4 =	sor.u32 $0x100, s22;
	v9 =	vmul.f32 v24, v21;
	v16 =	vsub.f32 $1.500000000e+00, v16;
	v14 =	vmul.f32 v14, v28  }
0x11c: {  	p4 =	por !p4, !p4;
	s20 =	sor.u32 $0x100, s2;
	[tilespmem:s4+$0x11150] =	vst v0;
	s4 =	simm.s32 $0x1;
	v5 =	vmul.f32 v12, v5;
	v18 =	vsub.f32 $1.500000000e+00, v23;
	v23 =	vsub.f32 $1.500000000e+00, v27  }
0x11d: {  	[tilespmem:s20+$0x11150] =	vst v17;
	s3 =	sor.u32 $0x180, s22;
	s4 =	simm.s32 @!p4 $0x0;
	v16 =	vmul.f32 v16, v30;
	v11 =	vmul.f32 v14, v11  }
0x11e: {  	s24 =	sor.u32 $0x180, s14;
	s25 =	sshll.u32 s4, $0x6;
	[tilespmem:s3+$0x11150] =	vst v29;
	v0 =	vmul.f32 v18, v15;
	v15 =	vmul.f32 v23, v25  }
0x11f: {  	s29 =	sor.u32 $0x180, s19;
	s3 =	sadd.s32 s25, s13;
	[tilespmem:s24+$0x11150] =	vst v13;
	v9 =	vsub.f32 $1.500000000e+00, v9;
	v13 =	vmul.f32 v16, v63;
	v11 =	vmul.f32 v11, v14  }
0x120: {  	s5 =	sor.u32 $0x100, s3;
	[tilespmem:s29+$0x11150] =	vst v19;
	v3 =	vmul.f32 v3, v22;
	v12 =	vmul.f32 v15, v61  }
0x121: {  	s23 =	sor.u32 $0x180, s15;
	[tilespmem:s5+$0x11150] =	vst v1;
	v1 =	vmul.f32 v9, v21;
	v9 =	vsub.f32 $1.500000000e+00, v11;
	v11 =	vmul.f32 v13, v16  }
0x122: {  	p4 =	por !p4, !p4;
	s4 =	simm.s32 $0x1;
	s3 =	sor.u32 $0x180, s3;
	[tilespmem:s23+$0x11150] =	vst v20;
	v3 =	vmul.f32 v3, v10;
	v10 =	vmul.f32 v12, v15  }
0x123: {  	s6 =	sor.u32 $0x180, s17;
	s4 =	simm.s32 @!p4 $0x0;
	v1 =	vmul.f32 v1, v33;
	[tilespmem:s3+$0x11150] =	vst v5;
	v0 =	vmul.f32 v0, v8;
	v8 =	vsub.f32 $1.500000000e+00, v11  }
0x124: {  	s1 =	sor.u32 $0x180, s1;
	s9 =	sshll.u32 s4, $0x6;
	[tilespmem:s6+$0x11150] =	vst v3;
	v3 =	vmul.f32 v9, v14;
	v5 =	vsub.f32 $1.500000000e+00, v10  }
0x125: {  	s7 =	sor.u32 $0x180, s18;
	[tilespmem:s1+$0x11150] =	vst v1;
	s3 =	sadd.s32 s9, s16;
	v1 =	vmul.f32 v8, v16  }
0x126: {  	p6 =	sgt.u32 s11, $0x7CF;
	s12 =	sor.u32 $0x100, s3;
	[tilespmem:s7+$0x11150] =	vst v0;
	v3 =	vmul.f32 v3, v6;
	v0 =	vmul.f32 v5, v15  }
0x127: {  	s14 =	sor.u32 $0x180, s2;
	p4 =	seq.s32 s10, $0x1F;
	s13 =	sor.u32 $0x180, s3;
	[tilespmem:s12+$0x11150] =	vst v2;
	v1 =	vmul.f32 v1, v4  }
0x128: {  	s0 =	sor.u32 $0x180, s0;
	p5 =	sgt.u32 @!p4 s11, $0x78F;
	s3 =	smul.u32 @!p6 $0x640, s11;
	[tilespmem:s13+$0x11150] =	vst v3;
	v0 =	vmul.f32 v0, v7  }
0x129: {  	s2 =	simm.s32 @!p6 $0x11150;
	p5 =	por p5, p4;
	s1 =	rddreg [dreg:$0x3];
	[tilespmem:s0+$0x11150] =	vst v1  }
0x12a: {  	s1 =	sadd.s32 @!p6 s1, s3;
	s3 =	smul.u32 @!p5 $0xC80, s11;
	s0 =	simm.s32 @!p6 $0x0;
	[tilespmem:s14+$0x11150] =	vst v0  }
0x12b: {  	[hbm4b:s1+s0] =	stream.linear.scatter @!p6 [tilespmem:s2], [sflag:$0x3], $0x3200, $0x38;
	[tilespmem:$0x17550] =	vst v63  }
0x12c: {  	s0 =	sshrl.u32 @!p5 s3, $0x3  }
0x12d: {  	s0 =	sadd.s32 @!p5 $0x6400, s0  }
0x12e: {  	s2 =	simm.s32 @!p5 $0x0;
	s3 =	simm.s32 @!p5 $0x4950;
	s1 =	sadd.s32 @!p5 s21, s0  }
0x12f: {  	[tilespmem:s3], [sflag:$0x5] =	stream.linear.gather @!p5 [hbm4b:s1+s2], $0xC80, $0x38;
	[tilespmem:$0x17550] =	vst v63  }
0x130: {  	s1 =	simm.s32 @!p5 $0x5  }
0x131: {  	_ =	swait.ge @!p5 [sflag:s1], $0xC80  }
0x132: {  	[sflag:s1] =	ssyncset.done @!p5 $0x0  }
0x133: {  	[sflag:s1] =	ssyncadd.s32 @!p5 $0xFFFFF380  }
0x134: {  	s3 =	rddreg [dreg:$0x2]  }
0x135: {  	s0 =	sadd.s32 @!p5 s3, s0;
	s3 =	simm.s32 @!p5 $0x55D0  }
0x136: {  	[tilespmem:s3], [sflag:$0x5] =	stream.linear.gather @!p5 [hbm4b:s0+s2], $0xC80, $0x38;
	[tilespmem:$0x17550] =	vst v63  }
0x137: {  	_ =	swait.ge @!p5 [sflag:s1], $0xC80  }
0x138: {  	[sflag:s1] =	ssyncset.done @!p5 $0x0  }
0x139: {  	s0 =	simm.s32 @!p4 $0xC80;
	[sflag:s1] =	ssyncadd.s32 @!p5 $0xFFFFF380  }
0x13a: {  	s2 =	simm.s32 @!p4 $0x7B50;
	s1 =	simm.s32 @!p4 $0x4950;
	s3 =	rddreg [dreg:$0x4]  }
0x13b: {  	[tilespmem:s2], [sflag:$0x1] =	stream.indirect.gather @!p4 [spmem:s3], $0x1, s1, s0, $0xb8;
	[tilespmem:$0x17550] =	vst v63  }
0x13c: {  	s4 =	rddreg [dreg:$0x5];
	s2 =	simm.s32 @!p4 $0x87D0  }
0x13d: {  	[tilespmem:s2], [sflag:$0x1] =	stream.indirect.gather @!p4 [spmem:s4], $0x1, s1, s0, $0xb8;
	[tilespmem:$0x17550] =	vst v63  }
0x13e: {  	s5 =	rddreg [dreg:$0x6];
	s2 =	simm.s32 @!p4 $0x9450  }
0x13f: {  	[tilespmem:s2], [sflag:$0x1] =	stream.indirect.gather @!p4 [spmem:s5], $0x1, s1, s0, $0xb8;
	[tilespmem:$0x17550] =	vst v63  }
0x140: {  	s1 =	simm.s32 @!p4 $0x55D0;
	s2 =	simm.s32 @!p4 $0xA0D0  }
0x141: {  	[tilespmem:s2], [sflag:$0x1] =	stream.indirect.gather @!p4 [spmem:s3], $0x1, s1, s0, $0xb8;
	[tilespmem:$0x17550] =	vst v63  }
0x142: {  	s2 =	simm.s32 @!p4 $0xAD50  }
0x143: {  	[tilespmem:s2], [sflag:$0x1] =	stream.indirect.gather @!p4 [spmem:s4], $0x1, s1, s0, $0xb8;
	[tilespmem:$0x17550] =	vst v63  }
0x144: {  	s2 =	simm.s32 @!p4 $0xB9D0  }
0x145: {  	[tilespmem:s2], [sflag:$0x1] =	stream.indirect.gather @!p4 [spmem:s5], $0x1, s1, s0, $0xb8;
	[tilespmem:$0x17550] =	vst v63  }
0x146: {  	_ =	swait.ge [sflag:s28], $0xC80  }
0x147: {  	[sflag:s28] =	ssyncset.done $0x0  }
0x148: {  	[sflag:s28] =	ssyncadd.s32 $0xFFFFF380  }
0x149: {  	_ =	swait.ge [sflag:s28], $0xC80  }
0x14a: {  	[sflag:s28] =	ssyncset.done $0x0  }
0x14b: {  	[sflag:s28] =	ssyncadd.s32 $0xFFFFF380  }
0x14c: {  	_ =	swait.ge [sflag:s28], $0xC80  }
0x14d: {  	[sflag:s28] =	ssyncset.done $0x0  }
0x14e: {  	[sflag:s28] =	ssyncadd.s32 $0xFFFFF380  }
0x14f: {  	_ =	swait.ge [sflag:s28], $0xC80  }
0x150: {  	[sflag:s28] =	ssyncset.done $0x0  }
0x151: {  	[sflag:s28] =	ssyncadd.s32 $0xFFFFF380  }
0x152: {  	_ =	swait.ge [sflag:s28], $0xC80  }
0x153: {  	[sflag:s28] =	ssyncset.done $0x0  }
0x154: {  	[sflag:s28] =	ssyncadd.s32 $0xFFFFF380  }
0x155: {  	_ =	swait.ge [sflag:s28], $0xC80  }
0x156: {  	[sflag:s28] =	ssyncset.done $0x0  }
0x157: {  	s0 =	simm.s32 @!p3 $0x4;
	[sflag:s28] =	ssyncadd.s32 $0xFFFFF380  }
0x158: {  	_ =	swait.ge @!p3 [sflag:s0], $0x3200  }
0x159: {  	[sflag:s0] =	ssyncset.done @!p3 $0x0  }
0x15a: {  	s15 =	simm.s32 $0x0;
	[sflag:s0] =	ssyncadd.s32 @!p3 $0xFFFFCE00  }
0x15b: {  	v0 =	vld [tilespmem:s15+$0x104F0]  }
0x15c: {  	v1 =	vld [tilespmem:s15+$0x104D0]  }
0x15d: {  	v2 =	vld [tilespmem:s15+$0xDF70]  }
0x15e: {  	v3 =	vld [tilespmem:s15+$0xDF50]  }
0x15f: {  	v4 =	vld [tilespmem:s15+$0xEBD0]  }
0x160: {  	v5 =	vld [tilespmem:s15+$0xEBF0]  }
0x161: {  	v6 =	vld [tilespmem:s15+$0xF860]  }
0x162: {  	v7 =	vld [tilespmem:s15+$0xF870]  }
0x163: {  	v8 =	vld [tilespmem:s15+$0x104E0]  }
0x164: {  	v10 =	vld [tilespmem:s15+$0xF850]  }
0x165: {  	v11 =	vld [tilespmem:s15+$0xDF60]  }
0x166: {  	v12 =	vld [tilespmem:s15+$0xD2D0]  }
0x167: {  	v13 =	vld [tilespmem:s15+$0xEC00]  }
0x168: {  	v9 =	vld [tilespmem:s15+$0xD2F0]  }
0x169: {  	v15 =	vld [tilespmem:s15+$0xC650]  }
0x16a: {  	v14 =	vld [tilespmem:s15+$0xC670]  }
0x16b: {  	v19 =	vld [tilespmem:s15+$0xEBE0]  }
0x16c: {  	v17 =	vld [tilespmem:s15+$0xDF80]  }
0x16d: {  	v20 =	vld [tilespmem:s15+$0xF880]  }
0x16e: {  	v21 =	vld [tilespmem:s15+$0x10500]  }
0x16f: {  	v22 =	vld [tilespmem:s15+$0xD300]  }
0x170: {  	v23 =	vld [tilespmem:s15+$0xC660]  }
0x171: {  	v24 =	vld [tilespmem:s15+$0xD2E0]  }
0x172: {  	s16 =	simm.s32 $0x40;
	v25 =	vld [tilespmem:s15+$0xC680]  }
0x173: {  	v26 =	vld [tilespmem:s16+$0x104F0]  }
0x174: {  	v27 =	vld [tilespmem:s16+$0xEBD0]  }
0x175: {  	v28 =	vld [tilespmem:s16+$0xF860]  }
0x176: {  	v29 =	vld [tilespmem:s16+$0xD2D0]  }
0x177: {  	v30 =	vld [tilespmem:s16+$0xD2F0];
	v7 =	vsub.f32 v9, v7  }
0x178: {  	v50 =	vld [tilespmem:s16+$0xC650];
	v5 =	vsub.f32 v14, v5;
	v0 =	vsub.f32 v2, v0  }
0x179: {  	v2 =	vld [tilespmem:s16+$0x104D0];
	v1 =	vsub.f32 v3, v1;
	v19 =	vsub.f32 v23, v19  }
0x17a: {  	v3 =	vld [tilespmem:s16+$0xDF50];
	v13 =	vsub.f32 v25, v13;
	v14 =	vmul.f32 $4.000000000e+01, v7;
	v16 =	vmul.f32 $4.000000000e+01, v5  }
0x17b: {  	v51 =	vld [tilespmem:s16+$0xC670];
	v9 =	vmul.f32 $4.000000000e+01, v0;
	v0 =	vmul.f32 $4.000000000e+01, v1  }
0x17c: {  	v20 =	vsub.f32 v22, v20;
	v7 =	vld [tilespmem:s16+$0xDF70];
	v22 =	vmul.f32 $4.000000000e+01, v19;
	v13 =	vmul.f32 $4.000000000e+01, v13  }
0x17d: {  	v54 =	vld [tilespmem:s16+$0xEBE0];
	v8 =	vsub.f32 v11, v8;
	v5 =	vmul.f32 v14, v14;
	v18 =	vmul.f32 v16, v16  }
0x17e: {  	v56 =	vld [tilespmem:s16+$0xDF80];
	v1 =	vsub.f32 v12, v10;
	v20 =	vmul.f32 $4.000000000e+01, v20;
	v11 =	vmul.f32 v9, v9  }
0x17f: {  	v10 =	vld [tilespmem:s16+$0xEBF0];
	v31 =	vmul.f32 v13, v13;
	v2 =	vsub.f32 v3, v2;
	v5 =	vadd.f32 v5, v18  }
0x180: {  	v57 =	vld [tilespmem:s16+$0xF880];
	v18 =	vmul.f32 $4.000000000e+01, v1;
	v1 =	vsub.f32 v15, v4;
	v4 =	vsub.f32 v17, v21  }
0x181: {  	v15 =	vld [tilespmem:s16+$0xF870];
	v17 =	vmul.f32 $4.000000000e+01, v8;
	v8 =	vmul.f32 v0, v0;
	v7 =	vsub.f32 v7, v26  }
0x182: {  	v21 =	vld [tilespmem:s16+$0xF850];
	v5 =	vadd.f32 v11, v5;
	v12 =	vmul.f32 $4.000000000e+01, v4;
	v33 =	vmul.f32 $4.000000000e+01, v1  }
0x183: {  	v3 =	vld [tilespmem:s16+$0x10500];
	v4 =	vsub.f32 v24, v6;
	v1 =	vmul.f32 v20, v20;
	v53 =	vmul.f32 v18, v18  }
0x184: {  	v10 =	vsub.f32 v51, v10;
	v11 =	vld [tilespmem:s16+$0x104E0];
	v58 =	vmul.f32 v17, v17;
	v32 =	vmul.f32 $4.000000000e+01, v7  }
0x185: {  	v24 =	vld [tilespmem:s16+$0xDF60];
	v6 =	vmax.f32 v5, $1.000000000e-30;
	v5 =	vmul.f32 $4.000000000e+01, v4;
	v52 =	vmul.f32 v33, v33  }
0x186: {  	v7 =	vld [tilespmem:s16+$0xD300];
	v55 =	vmul.f32 v12, v12;
	v1 =	vadd.f32 v1, v31;
	v19 =	vshra.s32 v6, $0x1  }
0x187: {  	v59 =	vld [tilespmem:s16+$0xC680];
	v25 =	vmul.f32 $5.000000000e-01, v6;
	v21 =	vsub.f32 v29, v21;
	v15 =	vsub.f32 v30, v15  }
0x188: {  	v29 =	vld [tilespmem:s16+$0xD2E0];
	v30 =	vmul.f32 $4.000000000e+01, v10;
	v62 =	vmul.f32 v32, v32;
	v4 =	vsub.s32 $0x5F3759DF, v19  }
0x189: {  	v3 =	vsub.f32 v56, v3;
	v19 =	vld [tilespmem:s16+$0xEC00];
	v40 =	vmul.f32 v5, v5;
	v23 =	vmul.f32 v4, v25  }
0x18a: {  	v11 =	vsub.f32 v24, v11;
	v24 =	vld [tilespmem:s16+$0xC660];
	v26 =	vmul.f32 $4.000000000e+01, v15;
	v15 =	vsub.f32 v50, v27  }
0x18b: {  	v37 =	vmul.f32 $4.000000000e+01, v3;
	v7 =	vsub.f32 v7, v57;
	v23 =	vmul.f32 v4, v23  }
0x18c: {  	v31 =	vadd.f32 v53, v52;
	v35 =	vmul.f32 $4.000000000e+01, v11;
	v48 =	vmul.f32 $4.000000000e+01, v15  }
0x18d: {  	s11 =	simm.s32 $0x0;
	v10 =	vmul.f32 v26, v26;
	v3 =	vsub.f32 v29, v28;
	v38 =	vmul.f32 $4.000000000e+01, v7  }
0x18e: {  	s31 =	smov.u32 s21;
	s19 =	sand.u32 $0x3E00, s11;
	s21 =	simm.s32 $0x30;
	v23 =	vsub.f32 $1.500000000e+00, v23;
	v19 =	vsub.f32 v59, v19;
	v52 =	vmul.f32 v48, v48  }
0x18f: {  	s17 =	simm.s32 $0x80;
	s3 =	sand.u32 $0x70, s21;
	s1 =	sadd.s32 $0x14350, s19;
	v11 =	vsub.f32 v24, v54;
	v27 =	vmul.f32 $4.000000000e+01, v3;
	v3 =	vmul.f32 v22, v22  }
0x190: {  	s22 =	simm.s32 $0x10;
	s23 =	simm.s32 $0x20;
	s3 =	sadd.s32 s3, s1;
	v61 =	vld [tilespmem:s17+$0x104F0];
	v42 =	vmul.f32 v4, v23;
	v23 =	vadd.f32 v55, v1;
	v1 =	vmul.f32 $4.000000000e+01, v2  }
0x191: {  	s9 =	simm.s32 $0x70;
	s12 =	simm.s32 $0x100;
	s20 =	sand.u32 $0x40, s11;
	[tilespmem:s3+$0x0] =	vst v13;
	v29 =	vld [tilespmem:s17+$0xDF70];
	v4 =	vadd.f32 v8, v31;
	v31 =	vmul.f32 $4.000000000e+01, v21;
	v21 =	vmul.f32 v30, v30  }
0x192: {  	s24 =	sand.u32 $0x3, s11;
	s6 =	sand.u32 $0x7, s11;
	s2 =	sadd.s32 s20, s1;
	[tilespmem:s3+$0x80] =	vst v20;
	v28 =	vmul.f32 $4.000000000e+01, v19;
	v19 =	vmul.f32 v37, v37  }
0x193: {  	s25 =	sshll.u32 s6, $0x4;
	s4 =	sand.u32 $0x50, s22;
	s5 =	sand.u32 $0x60, s23;
	v63 =	vld [tilespmem:s17+$0xDF50];
	[tilespmem:s2+$0x80] =	vst v18;
	v36 =	vmul.f32 $4.000000000e+01, v11;
	v11 =	vmul.f32 v38, v38  }
0x194: {  	s4 =	sadd.s32 s4, s1;
	s3 =	sshll.u32 s24, $0x5;
	[tilespmem:s2+$0x0] =	vst v33;
	s2 =	sadd.s32 $0x0, s25;
	v24 =	vld [tilespmem:s17+$0x104D0];
	v3 =	vadd.f32 v40, v3;
	v2 =	vmul.f32 v42, v25;
	v4 =	vmax.f32 v4, $1.000000000e-30  }
0x195: {  	s1 =	sadd.s32 s5, s1;
	v44 =	vld [tilespmem:s17+$0xEBF0];
	[tilespmem:s4+$0x0] =	vst v22;
	s3 =	sadd.s32 $0x0, s3;
	s13 =	sadd.s32 $0x10, s2;
	v34 =	vmul.f32 v1, v1;
	v10 =	vadd.f32 v10, v21;
	v21 =	vmul.f32 v27, v27  }
0x196: {  	s5 =	sand.u32 $0x3E00, s12;
	s18 =	sadd.s32 $0x20, s3;
	v53 =	vld [tilespmem:s17+$0xF850];
	[tilespmem:s4+$0x80] =	vst v5;
	s3 =	sor.u32 $0x100, s13;
	v29 =	vsub.f32 v29, v61;
	v22 =	vmax.f32 v23, $1.000000000e-30;
	v8 =	vmul.f32 $5.000000000e-01, v4  }
0x197: {  	s15 =	sand.u32 $0x70, s9;
	[tilespmem:s3+$0x14350] =	vst v17;
	s3 =	sadd.s32 $0x14350, s5;
	v40 =	vld [tilespmem:s17+$0xD2D0];
	v60 =	vshra.s32 v4, $0x1;
	v41 =	vadd.f32 v58, v3;
	v2 =	vmul.f32 v2, v42  }
0x198: {  	s0 =	sadd.s32 s15, s3;
	v61 =	vld [tilespmem:s17+$0xC670];
	v7 =	vadd.f32 v62, v10;
	v43 =	vsub.s32 $0x5F3759DF, v60;
	v10 =	vmul.f32 v28, v28  }
0x199: {  	v46 =	vld [tilespmem:s17+$0xEBD0];
	[tilespmem:s0+$0x0] =	vst v28;
	v59 =	vsub.f32 v63, v24;
	v3 =	vmul.f32 $4.000000000e+01, v29;
	v28 =	vmul.f32 $5.000000000e-01, v22  }
0x19a: {  	v49 =	vld [tilespmem:s17+$0xF870];
	v51 =	vmul.f32 v43, v8;
	v13 =	vmax.f32 v41, $1.000000000e-30;
	v2 =	vsub.f32 $1.500000000e+00, v2  }
0x19b: {  	v60 =	vld [tilespmem:s17+$0xC650];
	v7 =	vmax.f32 v7, $1.000000000e-30;
	v11 =	vadd.f32 v11, v10;
	v62 =	vshra.s32 v13, $0x1  }
0x19c: {  	v39 =	vld [tilespmem:s17+$0xEC00];
	v53 =	vsub.f32 v40, v53;
	v40 =	vmul.f32 v3, v3;
	v15 =	vshra.s32 v7, $0x1  }
0x19d: {  	v56 =	vld [tilespmem:s17+$0xD2F0];
	v10 =	vmul.f32 $5.000000000e-01, v7;
	v51 =	vmul.f32 v43, v51;
	v41 =	vsub.f32 v61, v44  }
0x19e: {  	v57 =	vld [tilespmem:s17+$0xC660];
	v11 =	vadd.f32 v19, v11;
	v19 =	vmul.f32 v31, v31;
	v24 =	vmul.f32 v2, v42  }
0x19f: {  	[tilespmem:s1+$0x80] =	vst v14;
	v61 =	vld [tilespmem:s17+$0xC680];
	v15 =	vsub.s32 $0x5F3759DF, v15;
	v2 =	vmul.f32 $4.000000000e+01, v59;
	v14 =	vmul.f32 $4.000000000e+01, v53  }
0x1a0: {  	v42 =	vld [tilespmem:s17+$0xEBE0];
	v54 =	vmul.f32 v15, v10;
	v51 =	vsub.f32 $1.500000000e+00, v51;
	v33 =	vsub.f32 v60, v46  }
0x1a1: {  	[tilespmem:s1+$0x0] =	vst v16;
	v50 =	vld [tilespmem:s17+$0x104E0];
	v23 =	vmul.f32 $4.000000000e+01, v41;
	v52 =	vadd.f32 v19, v52;
	v16 =	vmul.f32 v24, v25  }
0x1a2: {  	v55 =	vld [tilespmem:s17+$0xDF60];
	v19 =	vmul.f32 v35, v35;
	v25 =	vsub.f32 v56, v49;
	v54 =	vmul.f32 v15, v54  }
0x1a3: {  	s6 =	simm.s32 $0x40;
	v47 =	vld [tilespmem:s17+$0xF860];
	s14 =	sadd.s32 $0x30, s2;
	v34 =	vadd.f32 v34, v52;
	v52 =	vsub.s32 $0x5F3759DF, v62;
	v58 =	vmul.f32 v16, v24  }
0x1a4: {  	s7 =	sand.u32 $0x40, s6;
	s2 =	sor.u32 $0x100, s14;
	v49 =	vld [tilespmem:s17+$0xF880];
	v16 =	vmul.f32 $4.000000000e+01, v25;
	v25 =	vmul.f32 v2, v2;
	v56 =	vsub.f32 v61, v39  }
0x1a5: {  	[tilespmem:s2+$0x14350] =	vst v12;
	s1 =	sadd.s32 s7, s3;
	v62 =	vld [tilespmem:s17+$0xD300];
	v39 =	vmul.f32 v36, v36;
	v29 =	vsub.f32 $1.500000000e+00, v54;
	v12 =	vsub.f32 v57, v42  }
0x1a6: {  	[tilespmem:s1+$0x80] =	vst v31;
	v59 =	vld [tilespmem:s17+$0xD2E0];
	v5 =	vmax.f32 v34, $1.000000000e-30;
	v34 =	vsub.f32 $1.500000000e+00, v58;
	v31 =	vmul.f32 $4.000000000e+01, v56  }
0x1a7: {  	s29 =	sor.u32 $0x100, s18;
	s16 =	simm.s32 $0x50;
	v54 =	vld [tilespmem:s17+$0xDF80];
	v20 =	vmul.f32 v15, v29;
	v15 =	vmul.f32 $5.000000000e-01, v13;
	v29 =	vsub.f32 v55, v50  }
0x1a8: {  	s21 =	simm.s32 $0x4;
	[tilespmem:s29+$0x14350] =	vst v9;
	s2 =	sand.u32 $0x50, s16;
	v58 =	vshra.s32 v22, $0x1;
	v55 =	vld [tilespmem:s17+$0x10500];
	v18 =	vmul.f32 $5.000000000e-01, v5;
	s17 =	simm.s32 $0x60;
	v12 =	vmul.f32 $4.000000000e+01, v12  }
0x1a9: {  	s5 =	sand.u32 $0x7, s21;
	s2 =	sadd.s32 s2, s3;
	[tilespmem:s0+$0x80] =	vst v38;
	v60 =	vshra.s32 v5, $0x1;
	s4 =	sand.u32 $0x60, s17;
	v63 =	vmul.f32 v20, v10;
	v9 =	vmul.f32 $4.000000000e+01, v29  }
0x1aa: {  	s22 =	sshll.u32 s5, $0x4;
	[tilespmem:s2+$0x80] =	vst v27;
	v29 =	vmul.f32 v43, v51;
	v57 =	vsub.f32 v62, v49;
	s3 =	sadd.s32 s4, s3;
	v43 =	vsub.s32 $0x5F3759DF, v58  }
0x1ab: {  	s23 =	sadd.s32 $0x100, s22;
	[tilespmem:s3+$0x80] =	vst v26;
	v26 =	vsub.s32 $0x5F3759DF, v60;
	v60 =	vmul.f32 v31, v31;
	v61 =	vmul.f32 v43, v28  }
0x1ac: {  	s20 =	simm.s32 $0x2;
	[tilespmem:s2+$0x0] =	vst v36;
	s17 =	sadd.s32 $0x10, s23;
	v50 =	vmul.f32 v63, v20;
	v63 =	vmul.f32 v52, v15  }
0x1ad: {  	s19 =	sand.u32 $0x3, s20;
	s25 =	sor.u32 $0x100, s17;
	[tilespmem:s3+$0x0] =	vst v30;
	v42 =	vmul.f32 v29, v8;
	v30 =	vmul.f32 $4.000000000e+01, v57  }
0x1ae: {  	s0 =	sshll.u32 s19, $0x5;
	[tilespmem:s25+$0x14350] =	vst v35;
	v44 =	vmul.f32 v26, v18;
	v35 =	vmul.f32 v9, v9;
	v17 =	vsub.f32 v54, v55  }
0x1af: {  	s0 =	sadd.s32 $0x100, s0;
	v54 =	vmul.f32 v16, v16;
	v55 =	vsub.f32 v59, v47;
	v59 =	vmul.f32 v23, v23  }
0x1b0: {  	s30 =	simm.s32 $0x80;
	s19 =	sadd.s32 $0x20, s0;
	v53 =	vmul.f32 v52, v63;
	v62 =	vmul.f32 v30, v30  }
0x1b1: {  	s10 =	sadd.s32 $0x1, s10;
	s16 =	sadd.s32 $0x30, s23;
	[tilespmem:s1+$0x0] =	vst v48;
	s24 =	sor.u32 $0x100, s19;
	v63 =	vmul.f32 v43, v61;
	v17 =	vmul.f32 $4.000000000e+01, v17  }
0x1b2: {  	p3 =	por $0x0, $0x0;
	s15 =	simm.s32 $0x200;
	s29 =	sor.u32 $0x100, s16;
	[tilespmem:s24+$0x14350] =	vst v32;
	v32 =	vsub.f32 $1.500000000e+00, v50;
	v27 =	vmul.f32 $4.000000000e+01, v55;
	v48 =	vsub.f32 $1.500000000e+00, v53  }
0x1b3: {  	s2 =	simm.s32 $0x8;
	[tilespmem:s29+$0x14350] =	vst v37;
	s0 =	simm.s32 $0x8;
	s23 =	simm.s32 $0x300;
	v45 =	vadd.f32 v54, v59;
	v37 =	vadd.f32 v62, v60;
	v41 =	vmul.f32 v17, v17  }
0x1b4: {  	s3 =	sand.u32 $0x40, s30;
	s25 =	simm.s32 $0x90;
	s24 =	sand.u32 $0x3E00, s15;
	v46 =	vsub.f32 $1.500000000e+00, v63;
	v36 =	vmul.f32 v27, v27;
	v38 =	vmul.f32 v52, v48  }
.LBB2_5:
0x1b5: {  	s1 =	sshra.s32 s23, $0x2;
	s2 =	sadd.s32 $0x4, s2;
	v33 =	vmul.f32 $4.000000000e+01, v33;
	v40 =	vadd.f32 v40, v45;
	s4 =	sadd.s32 $0x30, s30;
	v42 =	vmul.f32 v42, v29  }
0x1b6: {  	s5 =	sand.u32 $0x7, s0;
	v45 =	vld [tilespmem:s1+$0x104F0];
	p4 =	slt.u32 s2, $0xC4;
	v37 =	vadd.f32 v41, v37;
	s4 =	sand.u32 $0x70, s4;
	v41 =	vmul.f32 v26, v44;
	v43 =	vmul.f32 v43, v46  }
0x1b7: {  	s6 =	sadd.s32 $0x14350, s24;
	s7 =	sand.u32 $0x50, s25;
	v24 =	vmul.f32 v34, v24;
	s5 =	sshll.u32 s5, $0x4;
	v44 =	vld [tilespmem:s1+$0x104D0];
	v46 =	vmul.f32 v33, v33;
	v40 =	vmax.f32 v40, $1.000000000e-30  }
0x1b8: {  	s22 =	sadd.s32 s3, s6;
	s3 =	sadd.s32 s5, s15;
	s5 =	sadd.s32 $0x20, s30;
	v34 =	vld [tilespmem:s1+$0xDF70];
	v47 =	vshra.s32 v40, $0x1;
	v48 =	vmul.f32 $5.000000000e-01, v40;
	v49 =	vmul.f32 v43, v28  }
0x1b9: {  	v51 =	vmul.f32 v14, v14;
	s29 =	sadd.s32 s4, s6;
	v42 =	vsub.f32 $1.500000000e+00, v42;
	s24 =	sadd.s32 $0x10, s3;
	s25 =	sadd.s32 $0x30, s3;
	v50 =	vld [tilespmem:s1+$0xDF50];
	[tilespmem:s22+$0x0] =	vst v33;
	v33 =	vsub.s32 $0x5F3759DF, v47  }
0x1ba: {  	s9 =	sadd.s32 s7, s6;
	s4 =	sor.u32 $0x100, s24;
	s3 =	sor.u32 $0x100, s25;
	v47 =	vld [tilespmem:s1+$0xEBD0];
	v52 =	vmul.f32 v33, v48;
	[tilespmem:s29+$0x0] =	vst v31;
	v31 =	vsub.f32 $1.500000000e+00, v41;
	v41 =	vmul.f32 v49, v43  }
0x1bb: {  	v21 =	vadd.f32 v21, v39;
	s20 =	sadd.s32 $0x2, s20;
	v24 =	vmul.f32 v24, v6;
	s5 =	sand.u32 $0x60, s5;
	v29 =	vmul.f32 v42, v29;
	v49 =	vld [tilespmem:s1+$0xEBF0];
	[tilespmem:s29+$0x80] =	vst v30  }
0x1bc: {  	s7 =	sand.u32 $0x3, s20;
	v6 =	vmovc v7;
	v39 =	vadd.f32 v51, v46;
	s5 =	sadd.s32 s5, s6;
	s6 =	sor.u32 $0x180, s18;
	v30 =	vld [tilespmem:s1+$0xF860];
	[tilespmem:s9+$0x80] =	vst v27;
	v27 =	vmul.f32 v33, v52;
	v41 =	vsub.f32 $1.500000000e+00, v41  }
0x1bd: {  	s7 =	sshll.u32 s7, $0x5;
	s18 =	smov.u32 s19;
	v52 =	vmul.f32 v38, v15;
	v42 =	vld [tilespmem:s1+$0xF870];
	v51 =	vsub.f32 v34, v45;
	v34 =	vmul.f32 v29, v8;
	[tilespmem:s6+$0x14350] =	vst v24  }
0x1be: {  	s6 =	sadd.s32 s15, s7;
	v44 =	vsub.f32 v50, v44;
	v45 =	vld [tilespmem:s1+$0x104E0];
	[tilespmem:s22+$0x80] =	vst v14;
	v14 =	vadd.f32 v19, v21;
	v41 =	vmul.f32 v41, v43  }
0x1bf: {  	v7 =	vmovc v40;
	v8 =	vmovc v18;
	v27 =	vsub.f32 $1.500000000e+00, v27;
	s19 =	sadd.s32 $0x20, s6;
	v43 =	vld [tilespmem:s1+$0xF850];
	v46 =	vmul.f32 $4.000000000e+01, v51;
	[tilespmem:s5+$0x0] =	vst v23;
	v51 =	vmul.f32 v52, v38  }
0x1c0: {  	v24 =	vmul.f32 v32, v20;
	v21 =	vmovc v36;
	v18 =	vld [tilespmem:s1+$0xDF60];
	[tilespmem:s5+$0x80] =	vst v16;
	s5 =	sor.u32 $0x100, s19;
	v50 =	vmax.f32 v14, $1.000000000e-30;
	v14 =	vmul.f32 v41, v28  }
0x1c1: {  	v19 =	vmovc v35;
	v36 =	vmul.f32 $4.000000000e+01, v44;
	v16 =	vld [tilespmem:s1+$0xD2D0];
	[tilespmem:s5+$0x14350] =	vst v3;
	v23 =	vshra.s32 v50, $0x1;
	v28 =	vsub.f32 $1.500000000e+00, v51;
	v3 =	vmovc v46  }
0x1c2: {  	v25 =	vadd.f32 v25, v39;
	v20 =	vmul.f32 v33, v27;
	v27 =	vmul.f32 v34, v29;
	v44 =	vld [tilespmem:s1+$0xEC00];
	[tilespmem:s9+$0x0] =	vst v12  }
0x1c3: {  	v35 =	vsub.s32 $0x5F3759DF, v23;
	v32 =	vld [tilespmem:s1+$0xD2F0];
	[tilespmem:s4+$0x14350] =	vst v9;
	v9 =	vmul.f32 $5.000000000e-01, v50;
	v23 =	vmul.f32 v28, v38  }
0x1c4: {  	v14 =	vmul.f32 v14, v41;
	v38 =	vmax.f32 v25, $1.000000000e-30;
	v25 =	vmul.f32 v20, v48;
	v28 =	vld [tilespmem:s1+$0xC650];
	[tilespmem:s3+$0x14350] =	vst v17  }
0x1c5: {  	v39 =	vmul.f32 v24, v10;
	v10 =	vmovc v48;
	v27 =	vsub.f32 $1.500000000e+00, v27;
	v17 =	vsub.f32 v18, v45;
	v34 =	vld [tilespmem:s1+$0xC670]  }
0x1c6: {  	v18 =	vmul.f32 $5.000000000e-01, v38;
	v16 =	vsub.f32 v16, v43;
	v40 =	vld [tilespmem:s1+$0xEBE0];
	v43 =	vmul.f32 v23, v15;
	v15 =	vmovc v9  }
0x1c7: {  	v48 =	vshra.s32 v38, $0x1;
	v51 =	vmul.f32 v25, v20;
	v25 =	vsub.f32 $1.500000000e+00, v14;
	v45 =	vld [tilespmem:s1+$0xDF80]  }
0x1c8: {  	v27 =	vmul.f32 v27, v29;
	v14 =	vmul.f32 $4.000000000e+01, v16;
	v16 =	vsub.f32 v32, v42;
	v42 =	vld [tilespmem:s1+$0xF880]  }
0x1c9: {  	v29 =	vmul.f32 v39, v24;
	v32 =	vmul.f32 v43, v23;
	v33 =	vsub.f32 v28, v47;
	v28 =	vld [tilespmem:s1+$0x10500]  }
0x1ca: {  	v9 =	vmul.f32 $4.000000000e+01, v17;
	v41 =	vmul.f32 v25, v41;
	v17 =	vsub.f32 v34, v49;
	v39 =	vld [tilespmem:s1+$0xD300]  }
0x1cb: {  	s3 =	simm.s32 $0x1;
	v16 =	vmul.f32 $4.000000000e+01, v16;
	v34 =	vsub.f32 $1.500000000e+00, v29;
	v47 =	vsub.f32 $1.500000000e+00, v32;
	v43 =	vld [tilespmem:s1+$0xC660]  }
0x1cc: {  	v53 =	vmax.f32 v11, $1.000000000e-30;
	v11 =	vmovc v37;
	s3 =	simm.s32 @!p3 $0x0;
	v25 =	vmul.f32 v36, v36;
	v52 =	vmul.f32 v35, v15;
	v49 =	vld [tilespmem:s1+$0xD2E0]  }
0x1cd: {  	v32 =	vsub.f32 $1.500000000e+00, v51;
	v29 =	vmul.f32 v26, v31;
	v26 =	vmul.f32 v47, v23;
	v37 =	vld [tilespmem:s1+$0xC680];
	s1 =	sshll.u32 s3, $0x6  }
0x1ce: {  	v23 =	vmul.f32 $4.000000000e+01, v17;
	v17 =	vsub.f32 v45, v28;
	v45 =	vmul.f32 v35, v52;
	s1 =	sadd.s32 s1, s11;
	s11 =	smov.u32 s12;
	s12 =	smov.u32 s15  }
0x1cf: {  	v27 =	vmul.f32 v27, v4;
	v4 =	vmovc v5;
	v47 =	vmul.f32 v16, v16;
	s15 =	smov.u32 s23;
	v39 =	vsub.f32 v39, v42;
	s3 =	sor.u32 $0x100, s1  }
0x1d0: {  	v28 =	vmul.f32 $5.000000000e-01, v53;
	s1 =	sor.u32 $0x180, s1;
	v43 =	vsub.f32 v43, v40;
	v17 =	vmul.f32 $4.000000000e+01, v17;
	[tilespmem:s3+$0x14350] =	vst v0;
	v0 =	vmovc v1;
	v1 =	vmovc v2  }
0x1d1: {  	v40 =	vmul.f32 v46, v3;
	v46 =	vmul.f32 v41, v22;
	v30 =	vsub.f32 v49, v30;
	[tilespmem:s1+$0x14350] =	vst v27  }
0x1d2: {  	s3 =	sor.u32 $0x180, s14;
	v2 =	vmovc v36;
	s1 =	sor.u32 $0x180, s13;
	s13 =	smov.u32 s17;
	v41 =	vmul.f32 $4.000000000e+01, v43;
	v31 =	vsub.f32 v37, v44;
	v37 =	vmul.f32 v26, v13;
	v13 =	vmovc v50  }
0x1d3: {  	v5 =	vmovc v38;
	v42 =	vmul.f32 v29, v8;
	v36 =	vshra.s32 v53, $0x1;
	v22 =	vmovc v53;
	s14 =	smov.u32 s16;
	s16 =	smov.u32 s25;
	s17 =	smov.u32 s24;
	v27 =	vmul.f32 $4.000000000e+01, v30;
	[tilespmem:s3+$0x14350] =	vst v46  }
0x1d4: {  	p3 =	por !p3, !p3;
	v38 =	vmul.f32 v23, v23;
	v26 =	vsub.s32 $0x5F3759DF, v48;
	v31 =	vmul.f32 $4.000000000e+01, v31;
	[tilespmem:s1+$0x14350] =	vst v37  }
0x1d5: {  	v43 =	vsub.s32 $0x5F3759DF, v36;
	v30 =	vmul.f32 $4.000000000e+01, v39;
	v39 =	vmul.f32 v12, v12;
	v12 =	vmovc v41  }
.Ltmp1:
0x1d6: {  	v36 =	vmul.f32 v43, v28;
	v37 =	vmul.f32 v31, v31;
	(pc) =	sbr.rel @p4 .LBB2_5-.Ltmp1, $4  }
0x1d7: {  	v44 =	vmul.f32 v26, v18;
	v46 =	vsub.f32 $1.500000000e+00, v45;
	v41 =	vmul.f32 v17, v17  }
0x1d8: {  	v45 =	vadd.f32 v47, v38;
	v47 =	vmul.f32 v30, v30;
	v48 =	vmul.f32 v43, v36  }
0x1d9: {  	s0 =	sadd.s32 $0x4, s0;
	s30 =	sadd.s32 $0x40, s30;
	s24 =	sand.u32 $0x3E00, s23;
	v36 =	vmul.f32 v27, v27;
	v38 =	vmul.f32 v35, v46  }
0x1da: {  	s25 =	sadd.s32 $0x10, s30;
	s23 =	sadd.s32 $0x100, s23;
	s3 =	sand.u32 $0x40, s30;
	v35 =	vmul.f32 v9, v9;
	v46 =	vsub.f32 $1.500000000e+00, v48;
	v37 =	vadd.f32 v47, v37  }
0x1db: {  	v47 =	vmul.f32 $4.000000000e+01, v33  }
0x1dc: {  	v58 =	vadd.f32 v40, v45;
	v59 =	vmul.f32 v42, v29;
	v61 =	vmul.f32 v26, v44  }
0x1dd: {  	v24 =	vmul.f32 v34, v24;
	v48 =	vmul.f32 v14, v14;
	v21 =	vadd.f32 v21, v39  }
0x1de: {  	v55 =	vmul.f32 v38, v15;
	v60 =	vmul.f32 v43, v46;
	v37 =	vadd.f32 v41, v37  }
0x1df: {  	v62 =	vmul.f32 v47, v47;
	v33 =	vmax.f32 v58, $1.000000000e-30;
	v40 =	vsub.f32 $1.500000000e+00, v59  }
0x1e0: {  	v24 =	vmul.f32 v24, v6;
	v56 =	vsub.f32 $1.500000000e+00, v61;
	v19 =	vadd.f32 v19, v21  }
0x1e1: {  	v58 =	vmul.f32 v55, v38;
	v63 =	vmul.f32 v60, v28;
	v52 =	vshra.s32 v33, $0x1  }
0x1e2: {  	v46 =	vmul.f32 $5.000000000e-01, v33;
	v45 =	vsub.s32 $0x5F3759DF, v52;
	v29 =	vmul.f32 v40, v29  }
0x1e3: {  	v57 =	vadd.f32 v48, v62;
	v55 =	vmul.f32 v26, v56;
	v34 =	vmul.f32 v63, v60  }
0x1e4: {  	v6 =	vsub.f32 $1.500000000e+00, v58;
	v53 =	vmul.f32 v45, v46;
	v59 =	vmul.f32 v29, v8  }
0x1e5: {  	v8 =	vmax.f32 v19, $1.000000000e-30;
	v19 =	vmul.f32 v32, v20;
	v21 =	vadd.f32 v25, v57  }
0x1e6: {  	v63 =	vmul.f32 v6, v38;
	v54 =	vsub.f32 $1.500000000e+00, v34;
	v39 =	vmul.f32 v45, v53  }
0x1e7: {  	v62 =	vshra.s32 v8, $0x1;
	v34 =	vmul.f32 $5.000000000e-01, v8;
	v61 =	vmul.f32 v59, v29  }
0x1e8: {  	v49 =	vmul.f32 v19, v10;
	v10 =	vmax.f32 v11, $1.000000000e-30;
	v50 =	vmul.f32 v63, v15  }
0x1e9: {  	v32 =	vsub.s32 $0x5F3759DF, v62;
	v59 =	vmul.f32 v55, v18;
	v62 =	vmul.f32 v12, v12  }
0x1ea: {  	v6 =	vmax.f32 v21, $1.000000000e-30;
	v42 =	vmul.f32 v54, v60;
	v43 =	vmul.f32 $5.000000000e-01, v10  }
0x1eb: {  	v39 =	vsub.f32 $1.500000000e+00, v39;
	v11 =	vmul.f32 $5.000000000e-01, v6;
	v54 =	vmul.f32 v32, v34  }
0x1ec: {  	v51 =	vshra.s32 v10, $0x1;
	v15 =	vmul.f32 v50, v63;
	v53 =	vmul.f32 v49, v19  }
0x1ed: {  	v44 =	vsub.s32 $0x5F3759DF, v51;
	v60 =	vmul.f32 v42, v28;
	v25 =	vmul.f32 v45, v39  }
0x1ee: {  	v28 =	vsub.f32 $1.500000000e+00, v61;
	v52 =	vmul.f32 v44, v43;
	v56 =	vmul.f32 v32, v54  }
0x1ef: {  	v15 =	vsub.f32 $1.500000000e+00, v15;
	v48 =	vmul.f32 v25, v46;
	v20 =	vmul.f32 v60, v42  }
0x1f0: {  	v58 =	vshra.s32 v6, $0x1;
	v28 =	vmul.f32 v28, v29;
	v45 =	vmul.f32 v44, v52  }
0x1f1: {  	v29 =	vsub.f32 $1.500000000e+00, v53;
	v61 =	vsub.f32 $1.500000000e+00, v56;
	v15 =	vmul.f32 v15, v63  }
0x1f2: {  	v21 =	vmul.f32 v48, v25;
	v20 =	vsub.f32 $1.500000000e+00, v20;
	v28 =	vmul.f32 v28, v4  }
0x1f3: {  	v57 =	vsub.f32 $1.500000000e+00, v45;
	v4 =	vmul.f32 v59, v55;
	v19 =	vmul.f32 v29, v19  }
0x1f4: {  	v38 =	vsub.s32 $0x5F3759DF, v58;
	v13 =	vmul.f32 v15, v13;
	v15 =	vmul.f32 v32, v61  }
0x1f5: {  	v48 =	vadd.f32 v36, v62;
	v20 =	vmul.f32 v20, v42;
	v60 =	vmul.f32 v44, v57  }
0x1f6: {  	v44 =	vmul.f32 v38, v11;
	v4 =	vsub.f32 $1.500000000e+00, v4;
	v19 =	vmul.f32 v19, v7  }
0x1f7: {  	v50 =	vadd.f32 v35, v48;
	v7 =	vmax.f32 v37, $1.000000000e-30;
	v52 =	vmul.f32 v15, v34  }
0x1f8: {  	v21 =	vsub.f32 $1.500000000e+00, v21;
	v35 =	vmul.f32 $5.000000000e-01, v7;
	v63 =	vmul.f32 v60, v43  }
0x1f9: {  	v37 =	vshra.s32 v7, $0x1;
	v26 =	vmul.f32 v4, v55;
	v4 =	vmax.f32 v50, $1.000000000e-30  }
0x1fa: {  	v53 =	vshra.s32 v4, $0x1;
	v54 =	vmul.f32 $5.000000000e-01, v4;
	v45 =	vmul.f32 v63, v60  }
0x1fb: {  	s2 =	sadd.s32 $0x14350, s24;
	v20 =	vmul.f32 v20, v22;
	v49 =	vmul.f32 v38, v44;
	v39 =	vsub.s32 $0x5F3759DF, v53  }
0x1fc: {  	s4 =	sand.u32 $0x50, s25;
	s3 =	sadd.s32 s3, s2;
	v37 =	vsub.s32 $0x5F3759DF, v37;
	v56 =	vmul.f32 v39, v54;
	v29 =	vsub.f32 $1.500000000e+00, v45  }
0x1fd: {  	s4 =	sadd.s32 s4, s2;
	[tilespmem:s3+$0x0] =	vst v47;
	v21 =	vmul.f32 v21, v25;
	v55 =	vmul.f32 v37, v35  }
0x1fe: {  	s1 =	sadd.s32 $0x30, s30;
	[tilespmem:s4+$0x80] =	vst v27;
	v22 =	vmul.f32 v29, v60;
	v29 =	vmul.f32 v39, v56  }
0x1ff: {  	s1 =	sand.u32 $0x70, s1;
	[tilespmem:s3+$0x80] =	vst v14;
	v51 =	vmul.f32 v26, v18;
	v59 =	vsub.f32 $1.500000000e+00, v49;
	v58 =	vmul.f32 v37, v55  }
0x200: {  	s5 =	sadd.s32 $0x20, s30;
	s1 =	sadd.s32 s1, s2;
	[tilespmem:s4+$0x0] =	vst v12;
	v32 =	vmul.f32 v52, v15;
	v36 =	vmul.f32 v21, v46;
	v29 =	vsub.f32 $1.500000000e+00, v29  }
0x201: {  	s0 =	sand.u32 $0x7, s0;
	s5 =	sand.u32 $0x60, s5;
	[tilespmem:s1+$0x0] =	vst v31;
	v18 =	vmul.f32 v51, v26;
	v63 =	vmul.f32 v38, v59;
	v61 =	vsub.f32 $1.500000000e+00, v58  }
0x202: {  	s0 =	sshll.u32 s0, $0x4;
	s2 =	sadd.s32 s5, s2;
	[tilespmem:s1+$0x80] =	vst v30;
	v48 =	vmul.f32 v36, v21;
	v29 =	vmul.f32 v39, v29  }
0x203: {  	s24 =	sadd.s32 $0x2, s20;
	s25 =	sadd.s32 s0, s15;
	[tilespmem:s2+$0x0] =	vst v23;
	v38 =	vmul.f32 v63, v11;
	v25 =	vmul.f32 v37, v61  }
0x204: {  	s6 =	sor.u32 $0x180, s18;
	s5 =	simm.s32 $0x1;
	[tilespmem:s2+$0x80] =	vst v16;
	s0 =	sadd.s32 $0x10, s25;
	v57 =	vsub.f32 $1.500000000e+00, v32;
	v60 =	vmul.f32 v22, v43;
	v43 =	vmul.f32 v29, v54  }
0x205: {  	s1 =	sand.u32 $0x3, s24;
	s5 =	simm.s32 @!p3 $0x0;
	[tilespmem:s6+$0x14350] =	vst v24;
	s30 =	sor.u32 $0x100, s0;
	v42 =	vsub.f32 $1.500000000e+00, v18;
	v14 =	vmul.f32 v38, v63;
	v41 =	vmul.f32 v25, v35  }
0x206: {  	s2 =	sadd.s32 $0x30, s25;
	s1 =	sshll.u32 s1, $0x5;
	s6 =	sshll.u32 s5, $0x6;
	[tilespmem:s30+$0x14350] =	vst v9;
	v15 =	vmul.f32 v57, v15;
	v9 =	vsub.f32 $1.500000000e+00, v48;
	v47 =	vmul.f32 v43, v29  }
0x207: {  	s7 =	sor.u32 $0x100, s2;
	s1 =	sadd.s32 s15, s1;
	s9 =	sadd.s32 s6, s11;
	v46 =	vmul.f32 v42, v26;
	v14 =	vsub.f32 $1.500000000e+00, v14;
	v45 =	vmul.f32 v41, v25  }
0x208: {  	[tilespmem:s7+$0x14350] =	vst v17;
	s1 =	sadd.s32 $0x20, s1;
	s4 =	sor.u32 $0x100, s9;
	v56 =	vmul.f32 v9, v21;
	v62 =	vmul.f32 v60, v22;
	v16 =	vsub.f32 $1.500000000e+00, v47  }
0x209: {  	p3 =	por !p3, !p3;
	s29 =	sor.u32 $0x100, s1;
	[tilespmem:s4+$0x14350] =	vst v0;
	s4 =	simm.s32 $0x1;
	v39 =	vmul.f32 v15, v34;
	v14 =	vmul.f32 v14, v63;
	v50 =	vsub.f32 $1.500000000e+00, v45  }
0x20a: {  	s3 =	sor.u32 $0x180, s9;
	[tilespmem:s29+$0x14350] =	vst v3;
	s4 =	simm.s32 @!p3 $0x0;
	v5 =	vmul.f32 v46, v5;
	v16 =	vmul.f32 v16, v29  }
0x20b: {  	s11 =	sor.u32 $0x180, s14;
	s14 =	sor.u32 $0x180, s13;
	s18 =	sshll.u32 s4, $0x6;
	[tilespmem:s3+$0x14350] =	vst v28;
	v11 =	vmul.f32 v14, v11;
	v52 =	vmul.f32 v50, v25  }
0x20c: {  	s20 =	sor.u32 $0x180, s19;
	s3 =	sadd.s32 s18, s12;
	[tilespmem:s14+$0x14350] =	vst v13;
	v23 =	vmul.f32 v39, v15;
	v54 =	vmul.f32 v16, v54  }
0x20d: {  	p3 =	por !p3, !p3;
	s4 =	simm.s32 $0x1;
	s21 =	sor.u32 $0x100, s3;
	[tilespmem:s20+$0x14350] =	vst v19;
	v44 =	vsub.f32 $1.500000000e+00, v62;
	v11 =	vmul.f32 v11, v14;
	v53 =	vmul.f32 v52, v35  }
0x20e: {  	s4 =	simm.s32 @!p3 $0x0;
	[tilespmem:s21+$0x14350] =	vst v1;
	v1 =	vmul.f32 v56, v33;
	v49 =	vsub.f32 $1.500000000e+00, v23;
	v58 =	vmul.f32 v54, v16  }
0x20f: {  	s24 =	sshll.u32 s4, $0x6;
	s3 =	sor.u32 $0x180, s3;
	[tilespmem:s11+$0x14350] =	vst v20;
	v3 =	vmul.f32 v44, v22;
	v57 =	vsub.f32 $1.500000000e+00, v11;
	v55 =	vmul.f32 v53, v52  }
0x210: {  	s1 =	sor.u32 $0x180, s1;
	[tilespmem:s3+$0x14350] =	vst v5;
	s3 =	sadd.s32 s24, s15;
	v51 =	vmul.f32 v49, v15;
	v61 =	vsub.f32 $1.500000000e+00, v58  }
0x211: {  	[tilespmem:s1+$0x14350] =	vst v1;
	s25 =	sor.u32 $0x100, s3;
	v3 =	vmul.f32 v3, v10;
	v60 =	vmul.f32 v57, v14;
	v59 =	vsub.f32 $1.500000000e+00, v55  }
0x212: {  	s22 =	sor.u32 $0x180, s16;
	[tilespmem:s25+$0x14350] =	vst v2;
	v0 =	vmul.f32 v51, v8;
	v63 =	vmul.f32 v61, v16  }
0x213: {  	s23 =	sor.u32 $0x180, s17;
	[tilespmem:s22+$0x14350] =	vst v3;
	v3 =	vmul.f32 v60, v6;
	v62 =	vmul.f32 v59, v52  }
0x214: {  	s29 =	sor.u32 $0x180, s3;
	[tilespmem:s23+$0x14350] =	vst v0;
	v1 =	vmul.f32 v63, v4  }
0x215: {  	s0 =	sor.u32 $0x180, s0;
	s30 =	sor.u32 $0x180, s2;
	s2 =	smul.u32 @!p2 $0x640, s8;
	[tilespmem:s29+$0x14350] =	vst v3;
	v0 =	vmul.f32 v62, v7  }
0x216: {  	[tilespmem:s0+$0x14350] =	vst v1;
	s0 =	rddreg [dreg:$0x3]  }
0x217: {  	s1 =	simm.s32 @!p2 $0x0;
	[tilespmem:s30+$0x14350] =	vst v0;
	s0 =	sadd.s32 @!p2 s0, s2;
	s2 =	simm.s32 @!p2 $0x14350  }
0x218: {  	[hbm4b:s0+s1] =	stream.linear.scatter @!p2 [tilespmem:s2], [sflag:$0x4], $0x3200, $0x38;
	[tilespmem:$0x17550] =	vst v63  }
0x219: {  	p2 =	sne.s32 s10, $0x20  }
.Ltmp2:
0x21a: {  	_ = 	snop;
	(pc) =	sbr.rel @p2 .LBB2_2-.Ltmp2, $1  }
0x21b: {  	_ =	sdelay $0x3  }
0x21c: {  	s0 =	simm.s32 @!p1 $0x3  }
0x21d: {  	_ =	swait.ge @!p1 [sflag:s0], $0x3200  }
0x21e: {  	s2 =	rddreg [dreg:$0x11]  }
0x21f: {  	s1 =	rddreg [dreg:$0xd];
	s2 =	sadd.s32 $0x1, s2  }
0x220: {  	p2 =	sne.s32 s2, s1  }
.Ltmp3:
0x221: {  	_ = 	snop;
	(pc) =	sbr.rel @p2 .LBB2_1-.Ltmp3, $3  }
0x222: {  	_ =	sdelay $0x1  }
0x223: {  	[sflag:s0] =	ssyncset.done @!p1 $0x0  }
0x224: {  	[sflag:s0] =	ssyncadd.s32 @!p1 $0xFFFFCE00  }
0x225: {  	_ =	sfence.sel $0x180000  }
0x226: {  	[bflag:$0x0] =	sbarrier.arrive $0xFFFF  }
0x227: {  	_ =	strace $0x90000047  }
0x228: {  	[bflag:$0x2] =	sbarrier.arrive $0xFFFF  }
0x229: {  	s0 =	rddreg [dreg:$0x7]  }
0x22a: {  	s0 =	sadd.s32 @!p0 $0x100000, s0  }
0x22b: {  	[sflag:s0] =	ssyncadd.tile.s32 @!p0 $0x1;
	_ =	shalt  }
.Lfunc_end2:
_tile_overlayer_lowered:
.L_overlay_start_2:
0x22c: {  	(tag) =	ssettag $0x2  }
0x22d: {  	s0 =	rddreg [dreg:$0x0];
	s2 =	stileid.u32  }
0x22e: {  	s1 =	rddreg [dreg:$0x1];
	p0 =	sne.s32 s2, $0x0  }
0x22f: {  	s3 =	rddreg [dreg:$0x2];
	[bflag:$0x3] =	sbarrier.arrive $0xFFFF;
	s2 =	simm.s32 @!p0 $0x1C05  }
0x230: {  	[timem:s3], [sflag:s2] =	dma.local @!p0 [hbm:s0], s1  }
0x231: {  	s0 =	simm.s32 @!p0 $0x5  }
0x232: {  	_ =	swait.ge @!p0 [sflag:s0], s1  }
0x233: {  	s1 =	ssub.s32 @!p0 $0x0, s1;
	[sflag:s0] =	ssyncset.done @!p0 $0x0  }
0x234: {  	[sflag:s0] =	ssyncadd.s32 @!p0 s1  }
0x235: {  	[bflag:$0x3] =	sbarrier.arrive $0xFFFF  }
0x236: {  	_ =	shalt  }

</sc_bundles>
